<compile_context>
chip_gen: v7x
topology: tpu7x:2x2x1
jax: 0.10.2.dev20260603
libtpu: 0.0.44.dev20260713+nightly
codegen_flags: <defaults>
</compile_context>

<pallas_src>
import functools

import jax
import jax.numpy as jnp
from jax import lax
from jax.experimental import pallas as pl
from jax.experimental.pallas import tpu as pltpu
from jax.experimental.pallas import tpu_sc as plsc

B = 4096
G = 12001
K = 8
NW = 32
RPW = B // NW
BANDS = RPW // 8
NBLK = 94

NEG = -3.0e38
POS = 3.0e38
SENT = -1e9
BIGIDX = 1 << 30


def _gather(x, idx):
    return lax.gather(
        x, idx.reshape(16, 1),
        dimension_numbers=lax.GatherDimensionNumbers(
            offset_dims=(), collapsed_slice_dims=(0,), start_index_map=(0,)),
        slice_sizes=(1,),
        mode=lax.GatherScatterMode.PROMISE_IN_BOUNDS)


def _sc_body(spec, theta_out, succ_out, buf, tbuf, sbuf, sem):
    wid = lax.axis_index("s") * 2 + lax.axis_index("c")
    lane = lax.iota(jnp.int32, 16)
    low8 = lane < 8

    def splat_min(v):
        for s in (1, 2, 4, 8):
            v = jnp.minimum(v, _gather(v, lane ^ s))
        return v

    def splat_max(v):
        for s in (1, 2, 4, 8):
            v = jnp.maximum(v, _gather(v, lane ^ s))
        return v

    def any_lanes(mask):
        return plsc.all_reduce_population_count(mask)[0] > 0

    def chunk_fn(k, t, i, tv, ti, thv):
        col = 128 * t + 16 * k
        xk = buf[i, pl.ds(col, 16)]
        if k == 0:
            blv = buf[i, pl.ds(jnp.maximum(128 * t - 16, 0), 16)]
            bl = jnp.where(t > 0, blv[15], POS)
            xl = jnp.where(lane == 0, bl, _gather(xk, jnp.maximum(lane - 1, 0)))
        else:
            xl = buf[i, pl.ds(col - 1, 16)]
        if k == 7:
            brv = buf[i, pl.ds(jnp.minimum(128 * (t + 1), 12016), 16)]
            br = jnp.where(t < NBLK - 1, brv[0], NEG)
            xr = jnp.where(lane == 15, br,
                           _gather(xk, jnp.minimum(lane + 1, 15)))
        else:
            xr = buf[i, pl.ds(col + 1, 16)]
        gidx = col + lane
        ip = (xk >= xl) & (xr <= xk) & (gidx >= 1) & (gidx <= G - 2)
        pv = jnp.where(ip, xk, SENT)
        cand = (gidx <= G - 1) & (pv > thv)

        def ins_cond(c):
            return any_lanes(c[0])

        def ins_body(c):
            cnd, tv_, ti_, th_ = c
            f = plsc.all_reduce_ffs(cnd)
            cv = _gather(pv, f)
            ci = _gather(gidx, f)
            okv = cv > th_
            vmin = splat_min(tv_)
            evt = splat_max(jnp.where(tv_ == vmin, ti_, -BIGIDX))
            esel = (ti_ == evt) & okv
            tv2 = jnp.where(esel, cv, tv_)
            ti2 = jnp.where(esel, ci, ti_)
            th2 = jnp.where(okv, splat_min(tv2), th_)
            cnd2 = cnd & (lane != f) & (pv > th2)
            return (cnd2, tv2, ti2, th2)

        _, tv, ti, thv = lax.while_loop(
            ins_cond, ins_body, (cand, tv, ti, thv))
        return tv, ti, thv

    def process_row(i, bl_idx):
        def block_body(t, carry):
            tv, ti, thv = carry
            col0 = 128 * t
            xs = [buf[i, pl.ds(col0 + 16 * k, 16)] for k in range(8)]
            m = jnp.maximum(
                jnp.maximum(jnp.maximum(xs[0], xs[1]),
                            jnp.maximum(xs[2], xs[3])),
                jnp.maximum(jnp.maximum(xs[4], xs[5]),
                            jnp.maximum(xs[6], xs[7])))
            hit = any_lanes(m > thv)

            def trig(tv, ti, thv):
                for k in range(8):
                    xk = buf[i, pl.ds(col0 + 16 * k, 16)]
                    sub_hit = any_lanes(xk > thv)
                    tv, ti, thv = lax.cond(
                        sub_hit,
                        lambda tv_, ti_, th_, kk=k: chunk_fn(
                            kk, t, i, tv_, ti_, th_),
                        lambda tv_, ti_, th_: (tv_, ti_, th_),
                        tv, ti, thv)
                return tv, ti, thv

            return lax.cond(
                hit, trig, lambda tv_, ti_, th_: (tv_, ti_, th_),
                tv, ti, thv)

        tv0 = jnp.where(low8, NEG, POS)
        ti0 = jnp.where(low8, lane - 8, BIGIDX)
        th0 = jnp.full((16,), NEG, jnp.float32)
        tv, ti, _ = lax.fori_loop(0, NBLK, block_body, (tv0, ti0, th0))

        ti_s, tv_s = plsc.sort_key_val(ti, tv)
        theta = -60.0 + 0.01 * ti_s.astype(jnp.float32)
        sflag = jnp.where(tv_s[7] > 0.0, jnp.float32(1.0), jnp.float32(0.0))
        lrow = bl_idx * 8 + i
        tbuf[pl.ds(lrow * K, 16)] = theta
        sbuf[pl.ds(lrow, 16)] = jnp.where(lane == 0, sflag, jnp.float32(0.0))

    def band_loop(bl_idx, c):
        r8 = (wid * BANDS + bl_idx) * 8
        cp = pltpu.make_async_copy(spec.at[pl.ds(r8, 8)], buf, sem)
        cp.start()
        cp.wait()

        def row_loop(i, c2):
            process_row(i, bl_idx)
            return c2

        return lax.fori_loop(0, 8, row_loop, c)

    lax.fori_loop(0, BANDS, band_loop, 0)

    pltpu.sync_copy(tbuf.at[pl.ds(0, RPW * K)],
                    theta_out.at[pl.ds(wid * RPW * K, RPW * K)])
    pltpu.sync_copy(sbuf.at[pl.ds(0, RPW)],
                    succ_out.at[pl.ds(wid * RPW, RPW)])


@jax.jit
def _run(spectrum):
    mesh = plsc.VectorSubcoreMesh(core_axis_name="c", subcore_axis_name="s")
    f = functools.partial(
        pl.kernel,
        mesh=mesh,
        compiler_params=pltpu.CompilerParams(needs_layout_passes=False),
        out_type=[
            jax.ShapeDtypeStruct((B * K,), jnp.float32),
            jax.ShapeDtypeStruct((B,), jnp.float32),
        ],
        scratch_types=[
            pltpu.VMEM((8, G), jnp.float32),
            pltpu.VMEM((RPW * K + 16,), jnp.float32),
            pltpu.VMEM((RPW + 16,), jnp.float32),
            pltpu.SemaphoreType.DMA,
        ],
    )(_sc_body)
    theta_flat, succ = f(spectrum)
    return theta_flat.reshape(B, K), succ


def kernel(spectrum, k, min_sep):
    theta, succ = _run(spectrum)
    return succ != 0.0, theta

# --- scband reference (transcript-rebuilt; emitter-appended) ---
"""Pipeline reference for scband-grid-based-network-76948634075773 (READ-ONLY COPY).

The authoritative reference and input builder live on the scoring server;
editing this copy changes nothing except your own understanding.
"""

import jax, jax.numpy as jnp
import numpy as np


def setup_inputs(seed: int = 0) -> dict:
    key = jax.random.key(seed)
    B, G = 4096, 12001
    spectrum = jax.random.normal(key, (B, G), dtype=jnp.float32)
    return {"spectrum": spectrum, "k": 8, "min_sep": 0}


def reference(spectrum, k, min_sep):
    # grid buffer per init_kwargs: arange(-60, 60+1e-4, 0.01) -> 12001 bins
    grid = jnp.arange(-60.0, 60.0 + 1e-4, 0.01, dtype=jnp.float32)
    peak_threshold = 0.0
    B = spectrum.shape[0]
    # min_sep == 0 -> _simple_peak_search branch (vectorized local-max peak search)
    d = jnp.diff(spectrum, axis=-1)
    is_peak = (d[:, :-1] >= 0) & (d[:, 1:] <= 0)
    pad = jnp.zeros((B, 1), dtype=jnp.bool_)
    is_peak = jnp.concatenate([pad, is_peak, pad], axis=-1)
    peak_vals = jnp.where(is_peak, spectrum, jnp.full_like(spectrum, -1e9))
    K = 8
    _, indices = jax.lax.top_k(peak_vals, K)
    indices = indices + (jnp.asarray(k, dtype=indices.dtype) * 0)
    indices = jnp.sort(indices, axis=-1)
    theta = grid[indices]
    gathered = jnp.take_along_axis(peak_vals, indices, axis=1)
    success = gathered[:, -1] > peak_threshold
    return (success, theta)

if __name__ == "__main__":
    import jax
    _d = setup_inputs()
    print(jax.jit(kernel)(*tuple(_d.values())))

</pallas_src>

<mosaic_0001>
#map = affine_map<(d0, d1) -> (0, 0)>
#map1 = affine_map<(d0, d1) -> (0)>
module attributes {stable_mosaic.version = 14 : i64} {
  func.func @_sc_body(%arg0: i32, %arg1: i32, %arg2: memref<4096x12001xf32, #tpu.memory_space<hbm>>, %arg3: memref<32768xf32, #tpu.memory_space<hbm>>, %arg4: memref<4096xf32, #tpu.memory_space<hbm>>, %arg5: memref<8x12001xf32, #tpu.memory_space<vmem>>, %arg6: memref<1040xf32, #tpu.memory_space<vmem>>, %arg7: memref<144xf32, #tpu.memory_space<vmem>>, %arg8: memref<!tpu.dma_semaphore, #tpu.memory_space<semaphore_mem>>) attributes {dimension_semantics = [#tpu.dimension_semantics<core_parallel>, #tpu.dimension_semantics<subcore_parallel>], iteration_bounds = array<i64: 2, 16>, scalar_prefetch = 0 : i64, scratch_operands = 4 : i64, tpu.core_type = #tpu.core_type<sc_vector_subcore>, window_params = [{transform_indices = #map}, {transform_indices = #map1}, {transform_indices = #map1}]} {
    %mul3A = arith.constant 2 : i32
    %mul3A_0 = arith.muli %arg1, %mul3A : i32
    %add3A = arith.addi %mul3A_0, %arg0 : i32
    %iota3A = tpu.iota {dimensions = array<i32: 0>} : vector<16xi32>
    %lt3A = arith.constant 8 : i32
    %lt3A_1 = vector.broadcast %lt3A : i32 to vector<16xi32>
    %lt3A_2 = arith.cmpi slt, %iota3A, %lt3A_1 : vector<16xi32>
    %scan3A = arith.constant 0 : i32
    %scan3A_3 = arith.constant 0 : i32
    %scan3A_4 = arith.constant 16 : i32
    %scan3A_5 = arith.addi %scan3A_3, %scan3A_4 : i32
    %scan3A_6 = arith.constant 1 : i32
    scf.for %scan3A_14 = %scan3A_3 to %scan3A_5 step %scan3A_6  : i32 {
      %mul3A_15 = arith.constant 16 : i32
      %mul3A_16 = arith.muli %add3A, %mul3A_15 : i32
      %add3A_17 = arith.addi %mul3A_16, %scan3A_14 : i32
      %mul3A_18 = arith.constant 8 : i32
      %mul3A_19 = arith.muli %add3A_17, %mul3A_18 : i32
      %dma_start3A = arith.constant 0 : i32
      %dma_start3A_20 = tpu.memref_slice %arg2[%mul3A_19, %dma_start3A] : memref<4096x12001xf32, #tpu.memory_space<hbm>> -> memref<8x12001xf32, #tpu.memory_space<hbm>>
      %dma_start3A_21 = arith.constant 0 : i32
      %dma_start3A_22 = tpu.memref_slice %arg2[%mul3A_19, %dma_start3A_21] : memref<4096x12001xf32, #tpu.memory_space<hbm>> -> memref<8x12001xf32, #tpu.memory_space<hbm>>
      tpu.enqueue_dma source(%dma_start3A_22 : memref<8x12001xf32, #tpu.memory_space<hbm>>) target(%arg5 : memref<8x12001xf32, #tpu.memory_space<vmem>>) target_semaphore(%arg8 : memref<!tpu.dma_semaphore, #tpu.memory_space<semaphore_mem>>)
      %dma_wait3A = arith.constant 0 : i32
      %dma_wait3A_23 = tpu.memref_slice %arg2[%mul3A_19, %dma_wait3A] : memref<4096x12001xf32, #tpu.memory_space<hbm>> -> memref<8x12001xf32, #tpu.memory_space<hbm>>
      %dma_wait3A_24 = arith.constant 0 : i32
      %dma_wait3A_25 = tpu.memref_slice %arg2[%mul3A_19, %dma_wait3A_24] : memref<4096x12001xf32, #tpu.memory_space<hbm>> -> memref<8x12001xf32, #tpu.memory_space<hbm>>
      tpu.wait_dma2 semaphore(%arg8 : memref<!tpu.dma_semaphore, #tpu.memory_space<semaphore_mem>>) src(%dma_wait3A_25 : memref<8x12001xf32, #tpu.memory_space<hbm>>) dst(%arg5 : memref<8x12001xf32, #tpu.memory_space<vmem>>)
      %scan3A_26 = arith.constant 0 : i32
      %scan3A_27 = arith.constant 8 : i32
      %scan3A_28 = arith.addi %scan3A_26, %scan3A_27 : i32
      %scan3A_29 = arith.constant 1 : i32
      scf.for %scan3A_31 = %scan3A_26 to %scan3A_28 step %scan3A_29  : i32 {
        %jit3A = arith.constant -3.000000e+38 : f32
        %jit3A_32 = arith.constant 3.000000e+38 : f32
        %broadcast_in_dim3A = vector.broadcast %jit3A : f32 to vector<16xf32>
        %broadcast_in_dim3A_33 = vector.broadcast %jit3A_32 : f32 to vector<16xf32>
        %select_n3A = arith.select %lt3A_2, %broadcast_in_dim3A, %broadcast_in_dim3A_33 : vector<16xi1>, vector<16xf32>
        %sub3A = arith.constant 8 : i32
        %sub3A_34 = vector.broadcast %sub3A : i32 to vector<16xi32>
        %sub3A_35 = arith.subi %iota3A, %sub3A_34 : vector<16xi32>
        %jit3A_36 = arith.constant 1073741824 : i32
        %broadcast_in_dim3A_37 = vector.broadcast %jit3A_36 : i32 to vector<16xi32>
        %select_n3A_38 = arith.select %lt3A_2, %sub3A_35, %broadcast_in_dim3A_37 : vector<16xi1>, vector<16xi32>
        %broadcast_in_dim3A_39 = arith.constant -3.000000e+38 : f32
        %broadcast_in_dim3A_40 = vector.broadcast %broadcast_in_dim3A_39 : f32 to vector<16xf32>
        %scan3A_41 = arith.constant 0 : i32
        %scan3A_42 = arith.constant 94 : i32
        %scan3A_43 = arith.addi %scan3A_41, %scan3A_42 : i32
        %scan3A_44 = arith.constant 1 : i32
        %scan3A_45:3 = scf.for %scan3A_78 = %scan3A_41 to %scan3A_43 step %scan3A_44 iter_args(%scan3A_79 = %select_n3A, %scan3A_80 = %select_n3A_38, %scan3A_81 = %broadcast_in_dim3A_40) -> (vector<16xf32>, vector<16xi32>, vector<16xf32>)  : i32 {
          %mul3A_82 = arith.constant 128 : i32
          %mul3A_83 = arith.muli %mul3A_82, %scan3A_78 : i32
          %add3A_84 = arith.constant 0 : i32
          %add3A_85 = arith.addi %mul3A_83, %add3A_84 : i32
          %get3A = arith.index_cast %scan3A_31 : i32 to index
          %get3A_86 = arith.index_cast %add3A_85 : i32 to index
          %get3A_87 = tpu.vector_load %arg5[%get3A, %get3A_86] {strides = array<i32>} : memref<8x12001xf32, #tpu.memory_space<vmem>>, vector<16xf32>,
          %add3A_88 = arith.constant 16 : i32
          %add3A_89 = arith.addi %mul3A_83, %add3A_88 : i32
          %get3A_90 = arith.index_cast %scan3A_31 : i32 to index
          %get3A_91 = arith.index_cast %add3A_89 : i32 to index
          %get3A_92 = tpu.vector_load %arg5[%get3A_90, %get3A_91] {strides = array<i32>} : memref<8x12001xf32, #tpu.memory_space<vmem>>, vector<16xf32>,
          %add3A_93 = arith.constant 32 : i32
          %add3A_94 = arith.addi %mul3A_83, %add3A_93 : i32
          %get3A_95 = arith.index_cast %scan3A_31 : i32 to index
          %get3A_96 = arith.index_cast %add3A_94 : i32 to index
          %get3A_97 = tpu.vector_load %arg5[%get3A_95, %get3A_96] {strides = array<i32>} : memref<8x12001xf32, #tpu.memory_space<vmem>>, vector<16xf32>,
          %add3A_98 = arith.constant 48 : i32
          %add3A_99 = arith.addi %mul3A_83, %add3A_98 : i32
          %get3A_100 = arith.index_cast %scan3A_31 : i32 to index
          %get3A_101 = arith.index_cast %add3A_99 : i32 to index
          %get3A_102 = tpu.vector_load %arg5[%get3A_100, %get3A_101] {strides = array<i32>} : memref<8x12001xf32, #tpu.memory_space<vmem>>, vector<16xf32>,
          %add3A_103 = arith.constant 64 : i32
          %add3A_104 = arith.addi %mul3A_83, %add3A_103 : i32
          %get3A_105 = arith.index_cast %scan3A_31 : i32 to index
          %get3A_106 = arith.index_cast %add3A_104 : i32 to index
          %get3A_107 = tpu.vector_load %arg5[%get3A_105, %get3A_106] {strides = array<i32>} : memref<8x12001xf32, #tpu.memory_space<vmem>>, vector<16xf32>,
          %add3A_108 = arith.constant 80 : i32
          %add3A_109 = arith.addi %mul3A_83, %add3A_108 : i32
          %get3A_110 = arith.index_cast %scan3A_31 : i32 to index
          %get3A_111 = arith.index_cast %add3A_109 : i32 to index
          %get3A_112 = tpu.vector_load %arg5[%get3A_110, %get3A_111] {strides = array<i32>} : memref<8x12001xf32, #tpu.memory_space<vmem>>, vector<16xf32>,
          %add3A_113 = arith.constant 96 : i32
          %add3A_114 = arith.addi %mul3A_83, %add3A_113 : i32
          %get3A_115 = arith.index_cast %scan3A_31 : i32 to index
          %get3A_116 = arith.index_cast %add3A_114 : i32 to index
          %get3A_117 = tpu.vector_load %arg5[%get3A_115, %get3A_116] {strides = array<i32>} : memref<8x12001xf32, #tpu.memory_space<vmem>>, vector<16xf32>,
          %add3A_118 = arith.constant 112 : i32
          %add3A_119 = arith.addi %mul3A_83, %add3A_118 : i32
          %get3A_120 = arith.index_cast %scan3A_31 : i32 to index
          %get3A_121 = arith.index_cast %add3A_119 : i32 to index
          %get3A_122 = tpu.vector_load %arg5[%get3A_120, %get3A_121] {strides = array<i32>} : memref<8x12001xf32, #tpu.memory_space<vmem>>, vector<16xf32>,
          %max3A = arith.maximumf %get3A_87, %get3A_92 : vector<16xf32>
          %max3A_123 = arith.maximumf %get3A_97, %get3A_102 : vector<16xf32>
          %max3A_124 = arith.maximumf %max3A, %max3A_123 : vector<16xf32>
          %max3A_125 = arith.maximumf %get3A_107, %get3A_112 : vector<16xf32>
          %max3A_126 = arith.maximumf %get3A_117, %get3A_122 : vector<16xf32>
          %max3A_127 = arith.maximumf %max3A_125, %max3A_126 : vector<16xf32>
          %max3A_128 = arith.maximumf %max3A_124, %max3A_127 : vector<16xf32>
          %gt3A_129 = arith.cmpf ogt, %max3A_128, %scan3A_81 : vector<16xf32>
          %all_reduce_population_count3A = tpu.all_reduce %gt3A_129 {dim = 0 : i64, kind = #tpu.reduction_kind<sum>} : vector<16xi1> -> vector<16xi32>
          %slice3A_130 = vector.extract_strided_slice %all_reduce_population_count3A {offsets = [0], sizes = [1], strides = [1]} : vector<16xi32> to vector<1xi32>
          %squeeze3A_131 = vector.extract %slice3A_130[0] : i32 from vector<1xi32>
          %gt3A_132 = arith.constant 0 : i32
          %gt3A_133 = arith.cmpi sgt, %squeeze3A_131, %gt3A_132 : i32
          %convert_element_type3A_134 = arith.extui %gt3A_133 : i1 to i32
          %cond3A = arith.constant 0 : i32
          %cond3A_135 = arith.cmpi ne, %convert_element_type3A_134, %cond3A : i32
          %cond3A_136:3 = scf.if %cond3A_135 -> (vector<16xf32>, vector<16xi32>, vector<16xf32>) {
            %add3A_137 = arith.constant 0 : i32
            %add3A_138 = arith.addi %mul3A_83, %add3A_137 : i32
            %get3A_139 = arith.index_cast %scan3A_31 : i32 to index
            %get3A_140 = arith.index_cast %add3A_138 : i32 to index
            %get3A_141 = tpu.vector_load %arg5[%get3A_139, %get3A_140] {strides = array<i32>} : memref<8x12001xf32, #tpu.memory_space<vmem>>, vector<16xf32>,
            %gt3A_142 = arith.cmpf ogt, %get3A_141, %scan3A_81 : vector<16xf32>
            %all_reduce_population_count3A_143 = tpu.all_reduce %gt3A_142 {dim = 0 : i64, kind = #tpu.reduction_kind<sum>} : vector<16xi1> -> vector<16xi32>
            %slice3A_144 = vector.extract_strided_slice %all_reduce_population_count3A_143 {offsets = [0], sizes = [1], strides = [1]} : vector<16xi32> to vector<1xi32>
            %squeeze3A_145 = vector.extract %slice3A_144[0] : i32 from vector<1xi32>
            %gt3A_146 = arith.constant 0 : i32
            %gt3A_147 = arith.cmpi sgt, %squeeze3A_145, %gt3A_146 : i32
            %convert_element_type3A_148 = arith.extui %gt3A_147 : i1 to i32
            %cond3A_149 = arith.constant 0 : i32
            %cond3A_150 = arith.cmpi ne, %convert_element_type3A_148, %cond3A_149 : i32
            %cond3A_151:3 = scf.if %cond3A_150 -> (vector<16xf32>, vector<16xi32>, vector<16xf32>) {
              %mul3A_257 = arith.constant 128 : i32
              %mul3A_258 = arith.muli %mul3A_257, %scan3A_78 : i32
              %add3A_259 = arith.constant 0 : i32
              %add3A_260 = arith.addi %mul3A_258, %add3A_259 : i32
              %get3A_261 = arith.index_cast %scan3A_31 : i32 to index
              %get3A_262 = arith.index_cast %add3A_260 : i32 to index
              %get3A_263 = tpu.vector_load %arg5[%get3A_261, %get3A_262] {strides = array<i32>} : memref<8x12001xf32, #tpu.memory_space<vmem>>, vector<16xf32>,
              %mul3A_264 = arith.constant 128 : i32
              %mul3A_265 = arith.muli %mul3A_264, %scan3A_78 : i32
              %sub3A_266 = arith.constant 16 : i32
              %sub3A_267 = arith.subi %mul3A_265, %sub3A_266 : i32
              %max3A_268 = arith.constant 0 : i32
              %max3A_269 = arith.maxsi %sub3A_267, %max3A_268 : i32
              %get3A_270 = arith.index_cast %scan3A_31 : i32 to index
              %get3A_271 = arith.index_cast %max3A_269 : i32 to index
              %get3A_272 = tpu.vector_load %arg5[%get3A_270, %get3A_271] {strides = array<i32>} : memref<8x12001xf32, #tpu.memory_space<vmem>>, vector<16xf32>,
              %gt3A_273 = arith.constant 0 : i32
              %gt3A_274 = arith.cmpi sgt, %scan3A_78, %gt3A_273 : i32
              %slice3A_275 = vector.extract_strided_slice %get3A_272 {offsets = [15], sizes = [1], strides = [1]} : vector<16xf32> to vector<1xf32>
              %squeeze3A_276 = vector.extract %slice3A_275[0] : f32 from vector<1xf32>
              %jit3A_277 = arith.constant 3.000000e+38 : f32
              %select_n3A_278 = arith.select %gt3A_274, %squeeze3A_276, %jit3A_277 : f32
              %eq3A_279 = arith.constant 0 : i32
              %eq3A_280 = vector.broadcast %eq3A_279 : i32 to vector<16xi32>
              %eq3A_281 = arith.cmpi eq, %iota3A, %eq3A_280 : vector<16xi32>
              %sub3A_282 = arith.constant 1 : i32
              %sub3A_283 = vector.broadcast %sub3A_282 : i32 to vector<16xi32>
              %sub3A_284 = arith.subi %iota3A, %sub3A_283 : vector<16xi32>
              %max3A_285 = arith.constant 0 : i32
              %max3A_286 = vector.broadcast %max3A_285 : i32 to vector<16xi32>
              %max3A_287 = arith.maxsi %sub3A_284, %max3A_286 : vector<16xi32>
              %reshape3A = vector.shape_cast %max3A_287 : vector<16xi32> to vector<16x1xi32>
              %gather3A = vector.shape_cast %reshape3A : vector<16x1xi32> to vector<16xi32>
              %gather3A_288 = tpu.dynamic_gather %get3A_263[%gather3A] in [0] : vector<16xf32>, vector<16xi32> -> vector<16xf32>
              %broadcast_in_dim3A_289 = vector.broadcast %select_n3A_278 : f32 to vector<16xf32>
              %select_n3A_290 = arith.select %eq3A_281, %broadcast_in_dim3A_289, %gather3A_288 : vector<16xi1>, vector<16xf32>
              %add3A_291 = arith.constant 1 : i32
              %add3A_292 = arith.addi %add3A_260, %add3A_291 : i32
              %get3A_293 = arith.index_cast %scan3A_31 : i32 to index
              %get3A_294 = arith.index_cast %add3A_292 : i32 to index
              %get3A_295 = tpu.vector_load %arg5[%get3A_293, %get3A_294] {strides = array<i32>} : memref<8x12001xf32, #tpu.memory_space<vmem>>, vector<16xf32>,
              %add3A_296 = vector.broadcast %add3A_260 : i32 to vector<16xi32>
              %add3A_297 = arith.addi %add3A_296, %iota3A : vector<16xi32>
              %ge3A = arith.cmpf oge, %get3A_263, %select_n3A_290 : vector<16xf32>
              %le3A = arith.cmpf ole, %get3A_295, %get3A_263 : vector<16xf32>
              %and3A = arith.andi %ge3A, %le3A : vector<16xi1>
              %ge3A_298 = arith.constant 1 : i32
              %ge3A_299 = vector.broadcast %ge3A_298 : i32 to vector<16xi32>
              %ge3A_300 = arith.cmpi sge, %add3A_297, %ge3A_299 : vector<16xi32>
              %and3A_301 = arith.andi %and3A, %ge3A_300 : vector<16xi1>
              %le3A_302 = arith.constant 11999 : i32
              %le3A_303 = vector.broadcast %le3A_302 : i32 to vector<16xi32>
              %le3A_304 = arith.cmpi sle, %add3A_297, %le3A_303 : vector<16xi32>
              %and3A_305 = arith.andi %and3A_301, %le3A_304 : vector<16xi1>
              %jit3A_306 = arith.constant -1.000000e+09 : f32
              %broadcast_in_dim3A_307 = vector.broadcast %jit3A_306 : f32 to vector<16xf32>
              %select_n3A_308 = arith.select %and3A_305, %get3A_263, %broadcast_in_dim3A_307 : vector<16xi1>, vector<16xf32>
              %le3A_309 = arith.constant 12000 : i32
              %le3A_310 = vector.broadcast %le3A_309 : i32 to vector<16xi32>
              %le3A_311 = arith.cmpi sle, %add3A_297, %le3A_310 : vector<16xi32>
              %gt3A_312 = arith.cmpf ogt, %select_n3A_308, %scan3A_81 : vector<16xf32>
              %and3A_313 = arith.andi %le3A_311, %gt3A_312 : vector<16xi1>
              %while3A:4 = scf.while (%while3A_314 = %and3A_313, %while3A_315 = %scan3A_79, %while3A_316 = %scan3A_80, %while3A_317 = %scan3A_81) : (vector<16xi1>, vector<16xf32>, vector<16xi32>, vector<16xf32>) -> (vector<16xi1>, vector<16xf32>, vector<16xi32>, vector<16xf32>) {
                %all_reduce_population_count3A_318 = tpu.all_reduce %while3A_314 {dim = 0 : i64, kind = #tpu.reduction_kind<sum>} : vector<16xi1> -> vector<16xi32>
                %slice3A_319 = vector.extract_strided_slice %all_reduce_population_count3A_318 {offsets = [0], sizes = [1], strides = [1]} : vector<16xi32> to vector<1xi32>
                %squeeze3A_320 = vector.extract %slice3A_319[0] : i32 from vector<1xi32>
                %gt3A_321 = arith.constant 0 : i32
                %gt3A_322 = arith.cmpi sgt, %squeeze3A_320, %gt3A_321 : i32
                scf.condition(%gt3A_322) %while3A_314, %while3A_315, %while3A_316, %while3A_317 : vector<16xi1>, vector<16xf32>, vector<16xi32>, vector<16xf32>
              } do {
              ^bb0(%while3A_314: vector<16xi1>, %while3A_315: vector<16xf32>, %while3A_316: vector<16xi32>, %while3A_317: vector<16xf32>):
                %all_reduce_ffs3A = tpu.all_reduce %while3A_314 {dim = 0 : i64, kind = #tpu.reduction_kind<find_first_set>} : vector<16xi1> -> vector<16xi32>
                %reshape3A_318 = vector.shape_cast %all_reduce_ffs3A : vector<16xi32> to vector<16x1xi32>
                %gather3A_319 = vector.shape_cast %reshape3A_318 : vector<16x1xi32> to vector<16xi32>
                %gather3A_320 = tpu.dynamic_gather %select_n3A_308[%gather3A_319] in [0] : vector<16xf32>, vector<16xi32> -> vector<16xf32>
                %reshape3A_321 = vector.shape_cast %all_reduce_ffs3A : vector<16xi32> to vector<16x1xi32>
                %gather3A_322 = vector.shape_cast %reshape3A_321 : vector<16x1xi32> to vector<16xi32>
                %gather3A_323 = tpu.dynamic_gather %add3A_297[%gather3A_322] in [0] : vector<16xi32>, vector<16xi32> -> vector<16xi32>
                %gt3A_324 = arith.cmpf ogt, %gather3A_320, %while3A_317 : vector<16xf32>
                %xor3A = arith.constant 1 : i32
                %xor3A_325 = vector.broadcast %xor3A : i32 to vector<16xi32>
                %xor3A_326 = arith.xori %iota3A, %xor3A_325 : vector<16xi32>
                %reshape3A_327 = vector.shape_cast %xor3A_326 : vector<16xi32> to vector<16x1xi32>
                %gather3A_328 = vector.shape_cast %reshape3A_327 : vector<16x1xi32> to vector<16xi32>
                %gather3A_329 = tpu.dynamic_gather %while3A_315[%gather3A_328] in [0] : vector<16xf32>, vector<16xi32> -> vector<16xf32>
                %min3A = arith.minimumf %while3A_315, %gather3A_329 : vector<16xf32>
                %xor3A_330 = arith.constant 2 : i32
                %xor3A_331 = vector.broadcast %xor3A_330 : i32 to vector<16xi32>
                %xor3A_332 = arith.xori %iota3A, %xor3A_331 : vector<16xi32>
                %reshape3A_333 = vector.shape_cast %xor3A_332 : vector<16xi32> to vector<16x1xi32>
                %gather3A_334 = vector.shape_cast %reshape3A_333 : vector<16x1xi32> to vector<16xi32>
                %gather3A_335 = tpu.dynamic_gather %min3A[%gather3A_334] in [0] : vector<16xf32>, vector<16xi32> -> vector<16xf32>
                %min3A_336 = arith.minimumf %min3A, %gather3A_335 : vector<16xf32>
                %xor3A_337 = arith.constant 4 : i32
                %xor3A_338 = vector.broadcast %xor3A_337 : i32 to vector<16xi32>
                %xor3A_339 = arith.xori %iota3A, %xor3A_338 : vector<16xi32>
                %reshape3A_340 = vector.shape_cast %xor3A_339 : vector<16xi32> to vector<16x1xi32>
                %gather3A_341 = vector.shape_cast %reshape3A_340 : vector<16x1xi32> to vector<16xi32>
                %gather3A_342 = tpu.dynamic_gather %min3A_336[%gather3A_341] in [0] : vector<16xf32>, vector<16xi32> -> vector<16xf32>
                %min3A_343 = arith.minimumf %min3A_336, %gather3A_342 : vector<16xf32>
                %xor3A_344 = arith.constant 8 : i32
                %xor3A_345 = vector.broadcast %xor3A_344 : i32 to vector<16xi32>
                %xor3A_346 = arith.xori %iota3A, %xor3A_345 : vector<16xi32>
                %reshape3A_347 = vector.shape_cast %xor3A_346 : vector<16xi32> to vector<16x1xi32>
                %gather3A_348 = vector.shape_cast %reshape3A_347 : vector<16x1xi32> to vector<16xi32>
                %gather3A_349 = tpu.dynamic_gather %min3A_343[%gather3A_348] in [0] : vector<16xf32>, vector<16xi32> -> vector<16xf32>
                %min3A_350 = arith.minimumf %min3A_343, %gather3A_349 : vector<16xf32>
                %eq3A_351 = arith.cmpf oeq, %while3A_315, %min3A_350 : vector<16xf32>
                %jit3A_352 = arith.constant -1073741824 : i32
                %broadcast_in_dim3A_353 = vector.broadcast %jit3A_352 : i32 to vector<16xi32>
                %select_n3A_354 = arith.select %eq3A_351, %while3A_316, %broadcast_in_dim3A_353 : vector<16xi1>, vector<16xi32>
                %xor3A_355 = arith.constant 1 : i32
                %xor3A_356 = vector.broadcast %xor3A_355 : i32 to vector<16xi32>
                %xor3A_357 = arith.xori %iota3A, %xor3A_356 : vector<16xi32>
                %reshape3A_358 = vector.shape_cast %xor3A_357 : vector<16xi32> to vector<16x1xi32>
                %gather3A_359 = vector.shape_cast %reshape3A_358 : vector<16x1xi32> to vector<16xi32>
                %gather3A_360 = tpu.dynamic_gather %select_n3A_354[%gather3A_359] in [0] : vector<16xi32>, vector<16xi32> -> vector<16xi32>
                %max3A_361 = arith.maxsi %select_n3A_354, %gather3A_360 : vector<16xi32>
                %xor3A_362 = arith.constant 2 : i32
                %xor3A_363 = vector.broadcast %xor3A_362 : i32 to vector<16xi32>
                %xor3A_364 = arith.xori %iota3A, %xor3A_363 : vector<16xi32>
                %reshape3A_365 = vector.shape_cast %xor3A_364 : vector<16xi32> to vector<16x1xi32>
                %gather3A_366 = vector.shape_cast %reshape3A_365 : vector<16x1xi32> to vector<16xi32>
                %gather3A_367 = tpu.dynamic_gather %max3A_361[%gather3A_366] in [0] : vector<16xi32>, vector<16xi32> -> vector<16xi32>
                %max3A_368 = arith.maxsi %max3A_361, %gather3A_367 : vector<16xi32>
                %xor3A_369 = arith.constant 4 : i32
                %xor3A_370 = vector.broadcast %xor3A_369 : i32 to vector<16xi32>
                %xor3A_371 = arith.xori %iota3A, %xor3A_370 : vector<16xi32>
                %reshape3A_372 = vector.shape_cast %xor3A_371 : vector<16xi32> to vector<16x1xi32>
                %gather3A_373 = vector.shape_cast %reshape3A_372 : vector<16x1xi32> to vector<16xi32>
                %gather3A_374 = tpu.dynamic_gather %max3A_368[%gather3A_373] in [0] : vector<16xi32>, vector<16xi32> -> vector<16xi32>
                %max3A_375 = arith.maxsi %max3A_368, %gather3A_374 : vector<16xi32>
                %xor3A_376 = arith.constant 8 : i32
                %xor3A_377 = vector.broadcast %xor3A_376 : i32 to vector<16xi32>
                %xor3A_378 = arith.xori %iota3A, %xor3A_377 : vector<16xi32>
                %reshape3A_379 = vector.shape_cast %xor3A_378 : vector<16xi32> to vector<16x1xi32>
                %gather3A_380 = vector.shape_cast %reshape3A_379 : vector<16x1xi32> to vector<16xi32>
                %gather3A_381 = tpu.dynamic_gather %max3A_375[%gather3A_380] in [0] : vector<16xi32>, vector<16xi32> -> vector<16xi32>
                %max3A_382 = arith.maxsi %max3A_375, %gather3A_381 : vector<16xi32>
                %eq3A_383 = arith.cmpi eq, %while3A_316, %max3A_382 : vector<16xi32>
                %and3A_384 = arith.andi %eq3A_383, %gt3A_324 : vector<16xi1>
                %select_n3A_385 = arith.select %and3A_384, %gather3A_320, %while3A_315 : vector<16xi1>, vector<16xf32>
                %select_n3A_386 = arith.select %and3A_384, %gather3A_323, %while3A_316 : vector<16xi1>, vector<16xi32>
                %xor3A_387 = arith.constant 1 : i32
                %xor3A_388 = vector.broadcast %xor3A_387 : i32 to vector<16xi32>
                %xor3A_389 = arith.xori %iota3A, %xor3A_388 : vector<16xi32>
                %reshape3A_390 = vector.shape_cast %xor3A_389 : vector<16xi32> to vector<16x1xi32>
                %gather3A_391 = vector.shape_cast %reshape3A_390 : vector<16x1xi32> to vector<16xi32>
                %gather3A_392 = tpu.dynamic_gather %select_n3A_385[%gather3A_391] in [0] : vector<16xf32>, vector<16xi32> -> vector<16xf32>
                %min3A_393 = arith.minimumf %select_n3A_385, %gather3A_392 : vector<16xf32>
                %xor3A_394 = arith.constant 2 : i32
                %xor3A_395 = vector.broadcast %xor3A_394 : i32 to vector<16xi32>
                %xor3A_396 = arith.xori %iota3A, %xor3A_395 : vector<16xi32>
                %reshape3A_397 = vector.shape_cast %xor3A_396 : vector<16xi32> to vector<16x1xi32>
                %gather3A_398 = vector.shape_cast %reshape3A_397 : vector<16x1xi32> to vector<16xi32>
                %gather3A_399 = tpu.dynamic_gather %min3A_393[%gather3A_398] in [0] : vector<16xf32>, vector<16xi32> -> vector<16xf32>
                %min3A_400 = arith.minimumf %min3A_393, %gather3A_399 : vector<16xf32>
                %xor3A_401 = arith.constant 4 : i32
                %xor3A_402 = vector.broadcast %xor3A_401 : i32 to vector<16xi32>
                %xor3A_403 = arith.xori %iota3A, %xor3A_402 : vector<16xi32>
                %reshape3A_404 = vector.shape_cast %xor3A_403 : vector<16xi32> to vector<16x1xi32>
                %gather3A_405 = vector.shape_cast %reshape3A_404 : vector<16x1xi32> to vector<16xi32>
                %gather3A_406 = tpu.dynamic_gather %min3A_400[%gather3A_405] in [0] : vector<16xf32>, vector<16xi32> -> vector<16xf32>
                %min3A_407 = arith.minimumf %min3A_400, %gather3A_406 : vector<16xf32>
                %xor3A_408 = arith.constant 8 : i32
                %xor3A_409 = vector.broadcast %xor3A_408 : i32 to vector<16xi32>
                %xor3A_410 = arith.xori %iota3A, %xor3A_409 : vector<16xi32>
                %reshape3A_411 = vector.shape_cast %xor3A_410 : vector<16xi32> to vector<16x1xi32>
                %gather3A_412 = vector.shape_cast %reshape3A_411 : vector<16x1xi32> to vector<16xi32>
                %gather3A_413 = tpu.dynamic_gather %min3A_407[%gather3A_412] in [0] : vector<16xf32>, vector<16xi32> -> vector<16xf32>
                %min3A_414 = arith.minimumf %min3A_407, %gather3A_413 : vector<16xf32>
                %select_n3A_415 = arith.select %gt3A_324, %min3A_414, %while3A_317 : vector<16xi1>, vector<16xf32>
                %ne3A = arith.cmpi ne, %iota3A, %all_reduce_ffs3A : vector<16xi32>
                %and3A_416 = arith.andi %while3A_314, %ne3A : vector<16xi1>
                %gt3A_417 = arith.cmpf ogt, %select_n3A_308, %select_n3A_415 : vector<16xf32>
                %and3A_418 = arith.andi %and3A_416, %gt3A_417 : vector<16xi1>
                scf.yield %and3A_418, %select_n3A_385, %select_n3A_386, %select_n3A_415 : vector<16xi1>, vector<16xf32>, vector<16xi32>, vector<16xf32>
              }
              scf.yield %while3A#1, %while3A#2, %while3A#3 : vector<16xf32>, vector<16xi32>, vector<16xf32>
            } else {
              scf.yield %scan3A_79, %scan3A_80, %scan3A_81 : vector<16xf32>, vector<16xi32>, vector<16xf32>
            }
            %add3A_152 = arith.constant 16 : i32
            %add3A_153 = arith.addi %mul3A_83, %add3A_152 : i32
            %get3A_154 = arith.index_cast %scan3A_31 : i32 to index
            %get3A_155 = arith.index_cast %add3A_153 : i32 to index
            %get3A_156 = tpu.vector_load %arg5[%get3A_154, %get3A_155] {strides = array<i32>} : memref<8x12001xf32, #tpu.memory_space<vmem>>, vector<16xf32>,
            %gt3A_157 = arith.cmpf ogt, %get3A_156, %cond3A_151#2 : vector<16xf32>
            %all_reduce_population_count3A_158 = tpu.all_reduce %gt3A_157 {dim = 0 : i64, kind = #tpu.reduction_kind<sum>} : vector<16xi1> -> vector<16xi32>
            %slice3A_159 = vector.extract_strided_slice %all_reduce_population_count3A_158 {offsets = [0], sizes = [1], strides = [1]} : vector<16xi32> to vector<1xi32>
            %squeeze3A_160 = vector.extract %slice3A_159[0] : i32 from vector<1xi32>
            %gt3A_161 = arith.constant 0 : i32
            %gt3A_162 = arith.cmpi sgt, %squeeze3A_160, %gt3A_161 : i32
            %convert_element_type3A_163 = arith.extui %gt3A_162 : i1 to i32
            %cond3A_164 = arith.constant 0 : i32
            %cond3A_165 = arith.cmpi ne, %convert_element_type3A_163, %cond3A_164 : i32
            %cond3A_166:3 = scf.if %cond3A_165 -> (vector<16xf32>, vector<16xi32>, vector<16xf32>) {
              %mul3A_257 = arith.constant 128 : i32
              %mul3A_258 = arith.muli %mul3A_257, %scan3A_78 : i32
              %add3A_259 = arith.constant 16 : i32
              %add3A_260 = arith.addi %mul3A_258, %add3A_259 : i32
              %get3A_261 = arith.index_cast %scan3A_31 : i32 to index
              %get3A_262 = arith.index_cast %add3A_260 : i32 to index
              %get3A_263 = tpu.vector_load %arg5[%get3A_261, %get3A_262] {strides = array<i32>} : memref<8x12001xf32, #tpu.memory_space<vmem>>, vector<16xf32>,
              %sub3A_264 = arith.constant 1 : i32
              %sub3A_265 = arith.subi %add3A_260, %sub3A_264 : i32
              %get3A_266 = arith.index_cast %scan3A_31 : i32 to index
              %get3A_267 = arith.index_cast %sub3A_265 : i32 to index
              %get3A_268 = tpu.vector_load %arg5[%get3A_266, %get3A_267] {strides = array<i32>} : memref<8x12001xf32, #tpu.memory_space<vmem>>, vector<16xf32>,
              %add3A_269 = arith.constant 1 : i32
              %add3A_270 = arith.addi %add3A_260, %add3A_269 : i32
              %get3A_271 = arith.index_cast %scan3A_31 : i32 to index
              %get3A_272 = arith.index_cast %add3A_270 : i32 to index
              %get3A_273 = tpu.vector_load %arg5[%get3A_271, %get3A_272] {strides = array<i32>} : memref<8x12001xf32, #tpu.memory_space<vmem>>, vector<16xf32>,
              %add3A_274 = vector.broadcast %add3A_260 : i32 to vector<16xi32>
              %add3A_275 = arith.addi %add3A_274, %iota3A : vector<16xi32>
              %ge3A = arith.cmpf oge, %get3A_263, %get3A_268 : vector<16xf32>
              %le3A = arith.cmpf ole, %get3A_273, %get3A_263 : vector<16xf32>
              %and3A = arith.andi %ge3A, %le3A : vector<16xi1>
              %ge3A_276 = arith.constant 1 : i32
              %ge3A_277 = vector.broadcast %ge3A_276 : i32 to vector<16xi32>
              %ge3A_278 = arith.cmpi sge, %add3A_275, %ge3A_277 : vector<16xi32>
              %and3A_279 = arith.andi %and3A, %ge3A_278 : vector<16xi1>
              %le3A_280 = arith.constant 11999 : i32
              %le3A_281 = vector.broadcast %le3A_280 : i32 to vector<16xi32>
              %le3A_282 = arith.cmpi sle, %add3A_275, %le3A_281 : vector<16xi32>
              %and3A_283 = arith.andi %and3A_279, %le3A_282 : vector<16xi1>
              %jit3A_284 = arith.constant -1.000000e+09 : f32
              %broadcast_in_dim3A_285 = vector.broadcast %jit3A_284 : f32 to vector<16xf32>
              %select_n3A_286 = arith.select %and3A_283, %get3A_263, %broadcast_in_dim3A_285 : vector<16xi1>, vector<16xf32>
              %le3A_287 = arith.constant 12000 : i32
              %le3A_288 = vector.broadcast %le3A_287 : i32 to vector<16xi32>
              %le3A_289 = arith.cmpi sle, %add3A_275, %le3A_288 : vector<16xi32>
              %gt3A_290 = arith.cmpf ogt, %select_n3A_286, %cond3A_151#2 : vector<16xf32>
              %and3A_291 = arith.andi %le3A_289, %gt3A_290 : vector<16xi1>
              %while3A:4 = scf.while (%while3A_292 = %and3A_291, %while3A_293 = %cond3A_151#0, %while3A_294 = %cond3A_151#1, %while3A_295 = %cond3A_151#2) : (vector<16xi1>, vector<16xf32>, vector<16xi32>, vector<16xf32>) -> (vector<16xi1>, vector<16xf32>, vector<16xi32>, vector<16xf32>) {
                %all_reduce_population_count3A_296 = tpu.all_reduce %while3A_292 {dim = 0 : i64, kind = #tpu.reduction_kind<sum>} : vector<16xi1> -> vector<16xi32>
                %slice3A_297 = vector.extract_strided_slice %all_reduce_population_count3A_296 {offsets = [0], sizes = [1], strides = [1]} : vector<16xi32> to vector<1xi32>
                %squeeze3A_298 = vector.extract %slice3A_297[0] : i32 from vector<1xi32>
                %gt3A_299 = arith.constant 0 : i32
                %gt3A_300 = arith.cmpi sgt, %squeeze3A_298, %gt3A_299 : i32
                scf.condition(%gt3A_300) %while3A_292, %while3A_293, %while3A_294, %while3A_295 : vector<16xi1>, vector<16xf32>, vector<16xi32>, vector<16xf32>
              } do {
              ^bb0(%while3A_292: vector<16xi1>, %while3A_293: vector<16xf32>, %while3A_294: vector<16xi32>, %while3A_295: vector<16xf32>):
                %all_reduce_ffs3A = tpu.all_reduce %while3A_292 {dim = 0 : i64, kind = #tpu.reduction_kind<find_first_set>} : vector<16xi1> -> vector<16xi32>
                %reshape3A = vector.shape_cast %all_reduce_ffs3A : vector<16xi32> to vector<16x1xi32>
                %gather3A = vector.shape_cast %reshape3A : vector<16x1xi32> to vector<16xi32>
                %gather3A_296 = tpu.dynamic_gather %select_n3A_286[%gather3A] in [0] : vector<16xf32>, vector<16xi32> -> vector<16xf32>
                %reshape3A_297 = vector.shape_cast %all_reduce_ffs3A : vector<16xi32> to vector<16x1xi32>
                %gather3A_298 = vector.shape_cast %reshape3A_297 : vector<16x1xi32> to vector<16xi32>
                %gather3A_299 = tpu.dynamic_gather %add3A_275[%gather3A_298] in [0] : vector<16xi32>, vector<16xi32> -> vector<16xi32>
                %gt3A_300 = arith.cmpf ogt, %gather3A_296, %while3A_295 : vector<16xf32>
                %xor3A = arith.constant 1 : i32
                %xor3A_301 = vector.broadcast %xor3A : i32 to vector<16xi32>
                %xor3A_302 = arith.xori %iota3A, %xor3A_301 : vector<16xi32>
                %reshape3A_303 = vector.shape_cast %xor3A_302 : vector<16xi32> to vector<16x1xi32>
                %gather3A_304 = vector.shape_cast %reshape3A_303 : vector<16x1xi32> to vector<16xi32>
                %gather3A_305 = tpu.dynamic_gather %while3A_293[%gather3A_304] in [0] : vector<16xf32>, vector<16xi32> -> vector<16xf32>
                %min3A = arith.minimumf %while3A_293, %gather3A_305 : vector<16xf32>
                %xor3A_306 = arith.constant 2 : i32
                %xor3A_307 = vector.broadcast %xor3A_306 : i32 to vector<16xi32>
                %xor3A_308 = arith.xori %iota3A, %xor3A_307 : vector<16xi32>
                %reshape3A_309 = vector.shape_cast %xor3A_308 : vector<16xi32> to vector<16x1xi32>
                %gather3A_310 = vector.shape_cast %reshape3A_309 : vector<16x1xi32> to vector<16xi32>
                %gather3A_311 = tpu.dynamic_gather %min3A[%gather3A_310] in [0] : vector<16xf32>, vector<16xi32> -> vector<16xf32>
                %min3A_312 = arith.minimumf %min3A, %gather3A_311 : vector<16xf32>
                %xor3A_313 = arith.constant 4 : i32
                %xor3A_314 = vector.broadcast %xor3A_313 : i32 to vector<16xi32>
                %xor3A_315 = arith.xori %iota3A, %xor3A_314 : vector<16xi32>
                %reshape3A_316 = vector.shape_cast %xor3A_315 : vector<16xi32> to vector<16x1xi32>
                %gather3A_317 = vector.shape_cast %reshape3A_316 : vector<16x1xi32> to vector<16xi32>
                %gather3A_318 = tpu.dynamic_gather %min3A_312[%gather3A_317] in [0] : vector<16xf32>, vector<16xi32> -> vector<16xf32>
                %min3A_319 = arith.minimumf %min3A_312, %gather3A_318 : vector<16xf32>
                %xor3A_320 = arith.constant 8 : i32
                %xor3A_321 = vector.broadcast %xor3A_320 : i32 to vector<16xi32>
                %xor3A_322 = arith.xori %iota3A, %xor3A_321 : vector<16xi32>
                %reshape3A_323 = vector.shape_cast %xor3A_322 : vector<16xi32> to vector<16x1xi32>
                %gather3A_324 = vector.shape_cast %reshape3A_323 : vector<16x1xi32> to vector<16xi32>
                %gather3A_325 = tpu.dynamic_gather %min3A_319[%gather3A_324] in [0] : vector<16xf32>, vector<16xi32> -> vector<16xf32>
                %min3A_326 = arith.minimumf %min3A_319, %gather3A_325 : vector<16xf32>
                %eq3A_327 = arith.cmpf oeq, %while3A_293, %min3A_326 : vector<16xf32>
                %jit3A_328 = arith.constant -1073741824 : i32
                %broadcast_in_dim3A_329 = vector.broadcast %jit3A_328 : i32 to vector<16xi32>
                %select_n3A_330 = arith.select %eq3A_327, %while3A_294, %broadcast_in_dim3A_329 : vector<16xi1>, vector<16xi32>
                %xor3A_331 = arith.constant 1 : i32
                %xor3A_332 = vector.broadcast %xor3A_331 : i32 to vector<16xi32>
                %xor3A_333 = arith.xori %iota3A, %xor3A_332 : vector<16xi32>
                %reshape3A_334 = vector.shape_cast %xor3A_333 : vector<16xi32> to vector<16x1xi32>
                %gather3A_335 = vector.shape_cast %reshape3A_334 : vector<16x1xi32> to vector<16xi32>
                %gather3A_336 = tpu.dynamic_gather %select_n3A_330[%gather3A_335] in [0] : vector<16xi32>, vector<16xi32> -> vector<16xi32>
                %max3A_337 = arith.maxsi %select_n3A_330, %gather3A_336 : vector<16xi32>
                %xor3A_338 = arith.constant 2 : i32
                %xor3A_339 = vector.broadcast %xor3A_338 : i32 to vector<16xi32>
                %xor3A_340 = arith.xori %iota3A, %xor3A_339 : vector<16xi32>
                %reshape3A_341 = vector.shape_cast %xor3A_340 : vector<16xi32> to vector<16x1xi32>
                %gather3A_342 = vector.shape_cast %reshape3A_341 : vector<16x1xi32> to vector<16xi32>
                %gather3A_343 = tpu.dynamic_gather %max3A_337[%gather3A_342] in [0] : vector<16xi32>, vector<16xi32> -> vector<16xi32>
                %max3A_344 = arith.maxsi %max3A_337, %gather3A_343 : vector<16xi32>
                %xor3A_345 = arith.constant 4 : i32
                %xor3A_346 = vector.broadcast %xor3A_345 : i32 to vector<16xi32>
                %xor3A_347 = arith.xori %iota3A, %xor3A_346 : vector<16xi32>
                %reshape3A_348 = vector.shape_cast %xor3A_347 : vector<16xi32> to vector<16x1xi32>
                %gather3A_349 = vector.shape_cast %reshape3A_348 : vector<16x1xi32> to vector<16xi32>
                %gather3A_350 = tpu.dynamic_gather %max3A_344[%gather3A_349] in [0] : vector<16xi32>, vector<16xi32> -> vector<16xi32>
                %max3A_351 = arith.maxsi %max3A_344, %gather3A_350 : vector<16xi32>
                %xor3A_352 = arith.constant 8 : i32
                %xor3A_353 = vector.broadcast %xor3A_352 : i32 to vector<16xi32>
                %xor3A_354 = arith.xori %iota3A, %xor3A_353 : vector<16xi32>
                %reshape3A_355 = vector.shape_cast %xor3A_354 : vector<16xi32> to vector<16x1xi32>
                %gather3A_356 = vector.shape_cast %reshape3A_355 : vector<16x1xi32> to vector<16xi32>
                %gather3A_357 = tpu.dynamic_gather %max3A_351[%gather3A_356] in [0] : vector<16xi32>, vector<16xi32> -> vector<16xi32>
                %max3A_358 = arith.maxsi %max3A_351, %gather3A_357 : vector<16xi32>
                %eq3A_359 = arith.cmpi eq, %while3A_294, %max3A_358 : vector<16xi32>
                %and3A_360 = arith.andi %eq3A_359, %gt3A_300 : vector<16xi1>
                %select_n3A_361 = arith.select %and3A_360, %gather3A_296, %while3A_293 : vector<16xi1>, vector<16xf32>
                %select_n3A_362 = arith.select %and3A_360, %gather3A_299, %while3A_294 : vector<16xi1>, vector<16xi32>
                %xor3A_363 = arith.constant 1 : i32
                %xor3A_364 = vector.broadcast %xor3A_363 : i32 to vector<16xi32>
                %xor3A_365 = arith.xori %iota3A, %xor3A_364 : vector<16xi32>
                %reshape3A_366 = vector.shape_cast %xor3A_365 : vector<16xi32> to vector<16x1xi32>
                %gather3A_367 = vector.shape_cast %reshape3A_366 : vector<16x1xi32> to vector<16xi32>
                %gather3A_368 = tpu.dynamic_gather %select_n3A_361[%gather3A_367] in [0] : vector<16xf32>, vector<16xi32> -> vector<16xf32>
                %min3A_369 = arith.minimumf %select_n3A_361, %gather3A_368 : vector<16xf32>
                %xor3A_370 = arith.constant 2 : i32
                %xor3A_371 = vector.broadcast %xor3A_370 : i32 to vector<16xi32>
                %xor3A_372 = arith.xori %iota3A, %xor3A_371 : vector<16xi32>
                %reshape3A_373 = vector.shape_cast %xor3A_372 : vector<16xi32> to vector<16x1xi32>
                %gather3A_374 = vector.shape_cast %reshape3A_373 : vector<16x1xi32> to vector<16xi32>
                %gather3A_375 = tpu.dynamic_gather %min3A_369[%gather3A_374] in [0] : vector<16xf32>, vector<16xi32> -> vector<16xf32>
                %min3A_376 = arith.minimumf %min3A_369, %gather3A_375 : vector<16xf32>
                %xor3A_377 = arith.constant 4 : i32
                %xor3A_378 = vector.broadcast %xor3A_377 : i32 to vector<16xi32>
                %xor3A_379 = arith.xori %iota3A, %xor3A_378 : vector<16xi32>
                %reshape3A_380 = vector.shape_cast %xor3A_379 : vector<16xi32> to vector<16x1xi32>
                %gather3A_381 = vector.shape_cast %reshape3A_380 : vector<16x1xi32> to vector<16xi32>
                %gather3A_382 = tpu.dynamic_gather %min3A_376[%gather3A_381] in [0] : vector<16xf32>, vector<16xi32> -> vector<16xf32>
                %min3A_383 = arith.minimumf %min3A_376, %gather3A_382 : vector<16xf32>
                %xor3A_384 = arith.constant 8 : i32
                %xor3A_385 = vector.broadcast %xor3A_384 : i32 to vector<16xi32>
                %xor3A_386 = arith.xori %iota3A, %xor3A_385 : vector<16xi32>
                %reshape3A_387 = vector.shape_cast %xor3A_386 : vector<16xi32> to vector<16x1xi32>
                %gather3A_388 = vector.shape_cast %reshape3A_387 : vector<16x1xi32> to vector<16xi32>
                %gather3A_389 = tpu.dynamic_gather %min3A_383[%gather3A_388] in [0] : vector<16xf32>, vector<16xi32> -> vector<16xf32>
                %min3A_390 = arith.minimumf %min3A_383, %gather3A_389 : vector<16xf32>
                %select_n3A_391 = arith.select %gt3A_300, %min3A_390, %while3A_295 : vector<16xi1>, vector<16xf32>
                %ne3A = arith.cmpi ne, %iota3A, %all_reduce_ffs3A : vector<16xi32>
                %and3A_392 = arith.andi %while3A_292, %ne3A : vector<16xi1>
                %gt3A_393 = arith.cmpf ogt, %select_n3A_286, %select_n3A_391 : vector<16xf32>
                %and3A_394 = arith.andi %and3A_392, %gt3A_393 : vector<16xi1>
                scf.yield %and3A_394, %select_n3A_361, %select_n3A_362, %select_n3A_391 : vector<16xi1>, vector<16xf32>, vector<16xi32>, vector<16xf32>
              }
              scf.yield %while3A#1, %while3A#2, %while3A#3 : vector<16xf32>, vector<16xi32>, vector<16xf32>
            } else {
              scf.yield %cond3A_151#0, %cond3A_151#1, %cond3A_151#2 : vector<16xf32>, vector<16xi32>, vector<16xf32>
            }
            %add3A_167 = arith.constant 32 : i32
            %add3A_168 = arith.addi %mul3A_83, %add3A_167 : i32
            %get3A_169 = arith.index_cast %scan3A_31 : i32 to index
            %get3A_170 = arith.index_cast %add3A_168 : i32 to index
            %get3A_171 = tpu.vector_load %arg5[%get3A_169, %get3A_170] {strides = array<i32>} : memref<8x12001xf32, #tpu.memory_space<vmem>>, vector<16xf32>,
            %gt3A_172 = arith.cmpf ogt, %get3A_171, %cond3A_166#2 : vector<16xf32>
            %all_reduce_population_count3A_173 = tpu.all_reduce %gt3A_172 {dim = 0 : i64, kind = #tpu.reduction_kind<sum>} : vector<16xi1> -> vector<16xi32>
            %slice3A_174 = vector.extract_strided_slice %all_reduce_population_count3A_173 {offsets = [0], sizes = [1], strides = [1]} : vector<16xi32> to vector<1xi32>
            %squeeze3A_175 = vector.extract %slice3A_174[0] : i32 from vector<1xi32>
            %gt3A_176 = arith.constant 0 : i32
            %gt3A_177 = arith.cmpi sgt, %squeeze3A_175, %gt3A_176 : i32
            %convert_element_type3A_178 = arith.extui %gt3A_177 : i1 to i32
            %cond3A_179 = arith.constant 0 : i32
            %cond3A_180 = arith.cmpi ne, %convert_element_type3A_178, %cond3A_179 : i32
            %cond3A_181:3 = scf.if %cond3A_180 -> (vector<16xf32>, vector<16xi32>, vector<16xf32>) {
              %mul3A_257 = arith.constant 128 : i32
              %mul3A_258 = arith.muli %mul3A_257, %scan3A_78 : i32
              %add3A_259 = arith.constant 32 : i32
              %add3A_260 = arith.addi %mul3A_258, %add3A_259 : i32
              %get3A_261 = arith.index_cast %scan3A_31 : i32 to index
              %get3A_262 = arith.index_cast %add3A_260 : i32 to index
              %get3A_263 = tpu.vector_load %arg5[%get3A_261, %get3A_262] {strides = array<i32>} : memref<8x12001xf32, #tpu.memory_space<vmem>>, vector<16xf32>,
              %sub3A_264 = arith.constant 1 : i32
              %sub3A_265 = arith.subi %add3A_260, %sub3A_264 : i32
              %get3A_266 = arith.index_cast %scan3A_31 : i32 to index
              %get3A_267 = arith.index_cast %sub3A_265 : i32 to index
              %get3A_268 = tpu.vector_load %arg5[%get3A_266, %get3A_267] {strides = array<i32>} : memref<8x12001xf32, #tpu.memory_space<vmem>>, vector<16xf32>,
              %add3A_269 = arith.constant 1 : i32
              %add3A_270 = arith.addi %add3A_260, %add3A_269 : i32
              %get3A_271 = arith.index_cast %scan3A_31 : i32 to index
              %get3A_272 = arith.index_cast %add3A_270 : i32 to index
              %get3A_273 = tpu.vector_load %arg5[%get3A_271, %get3A_272] {strides = array<i32>} : memref<8x12001xf32, #tpu.memory_space<vmem>>, vector<16xf32>,
              %add3A_274 = vector.broadcast %add3A_260 : i32 to vector<16xi32>
              %add3A_275 = arith.addi %add3A_274, %iota3A : vector<16xi32>
              %ge3A = arith.cmpf oge, %get3A_263, %get3A_268 : vector<16xf32>
              %le3A = arith.cmpf ole, %get3A_273, %get3A_263 : vector<16xf32>
              %and3A = arith.andi %ge3A, %le3A : vector<16xi1>
              %ge3A_276 = arith.constant 1 : i32
              %ge3A_277 = vector.broadcast %ge3A_276 : i32 to vector<16xi32>
              %ge3A_278 = arith.cmpi sge, %add3A_275, %ge3A_277 : vector<16xi32>
              %and3A_279 = arith.andi %and3A, %ge3A_278 : vector<16xi1>
              %le3A_280 = arith.constant 11999 : i32
              %le3A_281 = vector.broadcast %le3A_280 : i32 to vector<16xi32>
              %le3A_282 = arith.cmpi sle, %add3A_275, %le3A_281 : vector<16xi32>
              %and3A_283 = arith.andi %and3A_279, %le3A_282 : vector<16xi1>
              %jit3A_284 = arith.constant -1.000000e+09 : f32
              %broadcast_in_dim3A_285 = vector.broadcast %jit3A_284 : f32 to vector<16xf32>
              %select_n3A_286 = arith.select %and3A_283, %get3A_263, %broadcast_in_dim3A_285 : vector<16xi1>, vector<16xf32>
              %le3A_287 = arith.constant 12000 : i32
              %le3A_288 = vector.broadcast %le3A_287 : i32 to vector<16xi32>
              %le3A_289 = arith.cmpi sle, %add3A_275, %le3A_288 : vector<16xi32>
              %gt3A_290 = arith.cmpf ogt, %select_n3A_286, %cond3A_166#2 : vector<16xf32>
              %and3A_291 = arith.andi %le3A_289, %gt3A_290 : vector<16xi1>
              %while3A:4 = scf.while (%while3A_292 = %and3A_291, %while3A_293 = %cond3A_166#0, %while3A_294 = %cond3A_166#1, %while3A_295 = %cond3A_166#2) : (vector<16xi1>, vector<16xf32>, vector<16xi32>, vector<16xf32>) -> (vector<16xi1>, vector<16xf32>, vector<16xi32>, vector<16xf32>) {
                %all_reduce_population_count3A_296 = tpu.all_reduce %while3A_292 {dim = 0 : i64, kind = #tpu.reduction_kind<sum>} : vector<16xi1> -> vector<16xi32>
                %slice3A_297 = vector.extract_strided_slice %all_reduce_population_count3A_296 {offsets = [0], sizes = [1], strides = [1]} : vector<16xi32> to vector<1xi32>
                %squeeze3A_298 = vector.extract %slice3A_297[0] : i32 from vector<1xi32>
                %gt3A_299 = arith.constant 0 : i32
                %gt3A_300 = arith.cmpi sgt, %squeeze3A_298, %gt3A_299 : i32
                scf.condition(%gt3A_300) %while3A_292, %while3A_293, %while3A_294, %while3A_295 : vector<16xi1>, vector<16xf32>, vector<16xi32>, vector<16xf32>
              } do {
              ^bb0(%while3A_292: vector<16xi1>, %while3A_293: vector<16xf32>, %while3A_294: vector<16xi32>, %while3A_295: vector<16xf32>):
                %all_reduce_ffs3A = tpu.all_reduce %while3A_292 {dim = 0 : i64, kind = #tpu.reduction_kind<find_first_set>} : vector<16xi1> -> vector<16xi32>
                %reshape3A = vector.shape_cast %all_reduce_ffs3A : vector<16xi32> to vector<16x1xi32>
                %gather3A = vector.shape_cast %reshape3A : vector<16x1xi32> to vector<16xi32>
                %gather3A_296 = tpu.dynamic_gather %select_n3A_286[%gather3A] in [0] : vector<16xf32>, vector<16xi32> -> vector<16xf32>
                %reshape3A_297 = vector.shape_cast %all_reduce_ffs3A : vector<16xi32> to vector<16x1xi32>
                %gather3A_298 = vector.shape_cast %reshape3A_297 : vector<16x1xi32> to vector<16xi32>
                %gather3A_299 = tpu.dynamic_gather %add3A_275[%gather3A_298] in [0] : vector<16xi32>, vector<16xi32> -> vector<16xi32>
                %gt3A_300 = arith.cmpf ogt, %gather3A_296, %while3A_295 : vector<16xf32>
                %xor3A = arith.constant 1 : i32
                %xor3A_301 = vector.broadcast %xor3A : i32 to vector<16xi32>
                %xor3A_302 = arith.xori %iota3A, %xor3A_301 : vector<16xi32>
                %reshape3A_303 = vector.shape_cast %xor3A_302 : vector<16xi32> to vector<16x1xi32>
                %gather3A_304 = vector.shape_cast %reshape3A_303 : vector<16x1xi32> to vector<16xi32>
                %gather3A_305 = tpu.dynamic_gather %while3A_293[%gather3A_304] in [0] : vector<16xf32>, vector<16xi32> -> vector<16xf32>
                %min3A = arith.minimumf %while3A_293, %gather3A_305 : vector<16xf32>
                %xor3A_306 = arith.constant 2 : i32
                %xor3A_307 = vector.broadcast %xor3A_306 : i32 to vector<16xi32>
                %xor3A_308 = arith.xori %iota3A, %xor3A_307 : vector<16xi32>
                %reshape3A_309 = vector.shape_cast %xor3A_308 : vector<16xi32> to vector<16x1xi32>
                %gather3A_310 = vector.shape_cast %reshape3A_309 : vector<16x1xi32> to vector<16xi32>
                %gather3A_311 = tpu.dynamic_gather %min3A[%gather3A_310] in [0] : vector<16xf32>, vector<16xi32> -> vector<16xf32>
                %min3A_312 = arith.minimumf %min3A, %gather3A_311 : vector<16xf32>
                %xor3A_313 = arith.constant 4 : i32
                %xor3A_314 = vector.broadcast %xor3A_313 : i32 to vector<16xi32>
                %xor3A_315 = arith.xori %iota3A, %xor3A_314 : vector<16xi32>
                %reshape3A_316 = vector.shape_cast %xor3A_315 : vector<16xi32> to vector<16x1xi32>
                %gather3A_317 = vector.shape_cast %reshape3A_316 : vector<16x1xi32> to vector<16xi32>
                %gather3A_318 = tpu.dynamic_gather %min3A_312[%gather3A_317] in [0] : vector<16xf32>, vector<16xi32> -> vector<16xf32>
                %min3A_319 = arith.minimumf %min3A_312, %gather3A_318 : vector<16xf32>
                %xor3A_320 = arith.constant 8 : i32
                %xor3A_321 = vector.broadcast %xor3A_320 : i32 to vector<16xi32>
                %xor3A_322 = arith.xori %iota3A, %xor3A_321 : vector<16xi32>
                %reshape3A_323 = vector.shape_cast %xor3A_322 : vector<16xi32> to vector<16x1xi32>
                %gather3A_324 = vector.shape_cast %reshape3A_323 : vector<16x1xi32> to vector<16xi32>
                %gather3A_325 = tpu.dynamic_gather %min3A_319[%gather3A_324] in [0] : vector<16xf32>, vector<16xi32> -> vector<16xf32>
                %min3A_326 = arith.minimumf %min3A_319, %gather3A_325 : vector<16xf32>
                %eq3A_327 = arith.cmpf oeq, %while3A_293, %min3A_326 : vector<16xf32>
                %jit3A_328 = arith.constant -1073741824 : i32
                %broadcast_in_dim3A_329 = vector.broadcast %jit3A_328 : i32 to vector<16xi32>
                %select_n3A_330 = arith.select %eq3A_327, %while3A_294, %broadcast_in_dim3A_329 : vector<16xi1>, vector<16xi32>
                %xor3A_331 = arith.constant 1 : i32
                %xor3A_332 = vector.broadcast %xor3A_331 : i32 to vector<16xi32>
                %xor3A_333 = arith.xori %iota3A, %xor3A_332 : vector<16xi32>
                %reshape3A_334 = vector.shape_cast %xor3A_333 : vector<16xi32> to vector<16x1xi32>
                %gather3A_335 = vector.shape_cast %reshape3A_334 : vector<16x1xi32> to vector<16xi32>
                %gather3A_336 = tpu.dynamic_gather %select_n3A_330[%gather3A_335] in [0] : vector<16xi32>, vector<16xi32> -> vector<16xi32>
                %max3A_337 = arith.maxsi %select_n3A_330, %gather3A_336 : vector<16xi32>
                %xor3A_338 = arith.constant 2 : i32
                %xor3A_339 = vector.broadcast %xor3A_338 : i32 to vector<16xi32>
                %xor3A_340 = arith.xori %iota3A, %xor3A_339 : vector<16xi32>
                %reshape3A_341 = vector.shape_cast %xor3A_340 : vector<16xi32> to vector<16x1xi32>
                %gather3A_342 = vector.shape_cast %reshape3A_341 : vector<16x1xi32> to vector<16xi32>
                %gather3A_343 = tpu.dynamic_gather %max3A_337[%gather3A_342] in [0] : vector<16xi32>, vector<16xi32> -> vector<16xi32>
                %max3A_344 = arith.maxsi %max3A_337, %gather3A_343 : vector<16xi32>
                %xor3A_345 = arith.constant 4 : i32
                %xor3A_346 = vector.broadcast %xor3A_345 : i32 to vector<16xi32>
                %xor3A_347 = arith.xori %iota3A, %xor3A_346 : vector<16xi32>
                %reshape3A_348 = vector.shape_cast %xor3A_347 : vector<16xi32> to vector<16x1xi32>
                %gather3A_349 = vector.shape_cast %reshape3A_348 : vector<16x1xi32> to vector<16xi32>
                %gather3A_350 = tpu.dynamic_gather %max3A_344[%gather3A_349] in [0] : vector<16xi32>, vector<16xi32> -> vector<16xi32>
                %max3A_351 = arith.maxsi %max3A_344, %gather3A_350 : vector<16xi32>
                %xor3A_352 = arith.constant 8 : i32
                %xor3A_353 = vector.broadcast %xor3A_352 : i32 to vector<16xi32>
                %xor3A_354 = arith.xori %iota3A, %xor3A_353 : vector<16xi32>
                %reshape3A_355 = vector.shape_cast %xor3A_354 : vector<16xi32> to vector<16x1xi32>
                %gather3A_356 = vector.shape_cast %reshape3A_355 : vector<16x1xi32> to vector<16xi32>
                %gather3A_357 = tpu.dynamic_gather %max3A_351[%gather3A_356] in [0] : vector<16xi32>, vector<16xi32> -> vector<16xi32>
                %max3A_358 = arith.maxsi %max3A_351, %gather3A_357 : vector<16xi32>
                %eq3A_359 = arith.cmpi eq, %while3A_294, %max3A_358 : vector<16xi32>
                %and3A_360 = arith.andi %eq3A_359, %gt3A_300 : vector<16xi1>
                %select_n3A_361 = arith.select %and3A_360, %gather3A_296, %while3A_293 : vector<16xi1>, vector<16xf32>
                %select_n3A_362 = arith.select %and3A_360, %gather3A_299, %while3A_294 : vector<16xi1>, vector<16xi32>
                %xor3A_363 = arith.constant 1 : i32
                %xor3A_364 = vector.broadcast %xor3A_363 : i32 to vector<16xi32>
                %xor3A_365 = arith.xori %iota3A, %xor3A_364 : vector<16xi32>
                %reshape3A_366 = vector.shape_cast %xor3A_365 : vector<16xi32> to vector<16x1xi32>
                %gather3A_367 = vector.shape_cast %reshape3A_366 : vector<16x1xi32> to vector<16xi32>
                %gather3A_368 = tpu.dynamic_gather %select_n3A_361[%gather3A_367] in [0] : vector<16xf32>, vector<16xi32> -> vector<16xf32>
                %min3A_369 = arith.minimumf %select_n3A_361, %gather3A_368 : vector<16xf32>
                %xor3A_370 = arith.constant 2 : i32
                %xor3A_371 = vector.broadcast %xor3A_370 : i32 to vector<16xi32>
                %xor3A_372 = arith.xori %iota3A, %xor3A_371 : vector<16xi32>
                %reshape3A_373 = vector.shape_cast %xor3A_372 : vector<16xi32> to vector<16x1xi32>
                %gather3A_374 = vector.shape_cast %reshape3A_373 : vector<16x1xi32> to vector<16xi32>
                %gather3A_375 = tpu.dynamic_gather %min3A_369[%gather3A_374] in [0] : vector<16xf32>, vector<16xi32> -> vector<16xf32>
                %min3A_376 = arith.minimumf %min3A_369, %gather3A_375 : vector<16xf32>
                %xor3A_377 = arith.constant 4 : i32
                %xor3A_378 = vector.broadcast %xor3A_377 : i32 to vector<16xi32>
                %xor3A_379 = arith.xori %iota3A, %xor3A_378 : vector<16xi32>
                %reshape3A_380 = vector.shape_cast %xor3A_379 : vector<16xi32> to vector<16x1xi32>
                %gather3A_381 = vector.shape_cast %reshape3A_380 : vector<16x1xi32> to vector<16xi32>
                %gather3A_382 = tpu.dynamic_gather %min3A_376[%gather3A_381] in [0] : vector<16xf32>, vector<16xi32> -> vector<16xf32>
                %min3A_383 = arith.minimumf %min3A_376, %gather3A_382 : vector<16xf32>
                %xor3A_384 = arith.constant 8 : i32
                %xor3A_385 = vector.broadcast %xor3A_384 : i32 to vector<16xi32>
                %xor3A_386 = arith.xori %iota3A, %xor3A_385 : vector<16xi32>
                %reshape3A_387 = vector.shape_cast %xor3A_386 : vector<16xi32> to vector<16x1xi32>
                %gather3A_388 = vector.shape_cast %reshape3A_387 : vector<16x1xi32> to vector<16xi32>
                %gather3A_389 = tpu.dynamic_gather %min3A_383[%gather3A_388] in [0] : vector<16xf32>, vector<16xi32> -> vector<16xf32>
                %min3A_390 = arith.minimumf %min3A_383, %gather3A_389 : vector<16xf32>
                %select_n3A_391 = arith.select %gt3A_300, %min3A_390, %while3A_295 : vector<16xi1>, vector<16xf32>
                %ne3A = arith.cmpi ne, %iota3A, %all_reduce_ffs3A : vector<16xi32>
                %and3A_392 = arith.andi %while3A_292, %ne3A : vector<16xi1>
                %gt3A_393 = arith.cmpf ogt, %select_n3A_286, %select_n3A_391 : vector<16xf32>
                %and3A_394 = arith.andi %and3A_392, %gt3A_393 : vector<16xi1>
                scf.yield %and3A_394, %select_n3A_361, %select_n3A_362, %select_n3A_391 : vector<16xi1>, vector<16xf32>, vector<16xi32>, vector<16xf32>
              }
              scf.yield %while3A#1, %while3A#2, %while3A#3 : vector<16xf32>, vector<16xi32>, vector<16xf32>
            } else {
              scf.yield %cond3A_166#0, %cond3A_166#1, %cond3A_166#2 : vector<16xf32>, vector<16xi32>, vector<16xf32>
            }
            %add3A_182 = arith.constant 48 : i32
            %add3A_183 = arith.addi %mul3A_83, %add3A_182 : i32
            %get3A_184 = arith.index_cast %scan3A_31 : i32 to index
            %get3A_185 = arith.index_cast %add3A_183 : i32 to index
            %get3A_186 = tpu.vector_load %arg5[%get3A_184, %get3A_185] {strides = array<i32>} : memref<8x12001xf32, #tpu.memory_space<vmem>>, vector<16xf32>,
            %gt3A_187 = arith.cmpf ogt, %get3A_186, %cond3A_181#2 : vector<16xf32>
            %all_reduce_population_count3A_188 = tpu.all_reduce %gt3A_187 {dim = 0 : i64, kind = #tpu.reduction_kind<sum>} : vector<16xi1> -> vector<16xi32>
            %slice3A_189 = vector.extract_strided_slice %all_reduce_population_count3A_188 {offsets = [0], sizes = [1], strides = [1]} : vector<16xi32> to vector<1xi32>
            %squeeze3A_190 = vector.extract %slice3A_189[0] : i32 from vector<1xi32>
            %gt3A_191 = arith.constant 0 : i32
            %gt3A_192 = arith.cmpi sgt, %squeeze3A_190, %gt3A_191 : i32
            %convert_element_type3A_193 = arith.extui %gt3A_192 : i1 to i32
            %cond3A_194 = arith.constant 0 : i32
            %cond3A_195 = arith.cmpi ne, %convert_element_type3A_193, %cond3A_194 : i32
            %cond3A_196:3 = scf.if %cond3A_195 -> (vector<16xf32>, vector<16xi32>, vector<16xf32>) {
              %mul3A_257 = arith.constant 128 : i32
              %mul3A_258 = arith.muli %mul3A_257, %scan3A_78 : i32
              %add3A_259 = arith.constant 48 : i32
              %add3A_260 = arith.addi %mul3A_258, %add3A_259 : i32
              %get3A_261 = arith.index_cast %scan3A_31 : i32 to index
              %get3A_262 = arith.index_cast %add3A_260 : i32 to index
              %get3A_263 = tpu.vector_load %arg5[%get3A_261, %get3A_262] {strides = array<i32>} : memref<8x12001xf32, #tpu.memory_space<vmem>>, vector<16xf32>,
              %sub3A_264 = arith.constant 1 : i32
              %sub3A_265 = arith.subi %add3A_260, %sub3A_264 : i32
              %get3A_266 = arith.index_cast %scan3A_31 : i32 to index
              %get3A_267 = arith.index_cast %sub3A_265 : i32 to index
              %get3A_268 = tpu.vector_load %arg5[%get3A_266, %get3A_267] {strides = array<i32>} : memref<8x12001xf32, #tpu.memory_space<vmem>>, vector<16xf32>,
              %add3A_269 = arith.constant 1 : i32
              %add3A_270 = arith.addi %add3A_260, %add3A_269 : i32
              %get3A_271 = arith.index_cast %scan3A_31 : i32 to index
              %get3A_272 = arith.index_cast %add3A_270 : i32 to index
              %get3A_273 = tpu.vector_load %arg5[%get3A_271, %get3A_272] {strides = array<i32>} : memref<8x12001xf32, #tpu.memory_space<vmem>>, vector<16xf32>,
              %add3A_274 = vector.broadcast %add3A_260 : i32 to vector<16xi32>
              %add3A_275 = arith.addi %add3A_274, %iota3A : vector<16xi32>
              %ge3A = arith.cmpf oge, %get3A_263, %get3A_268 : vector<16xf32>
              %le3A = arith.cmpf ole, %get3A_273, %get3A_263 : vector<16xf32>
              %and3A = arith.andi %ge3A, %le3A : vector<16xi1>
              %ge3A_276 = arith.constant 1 : i32
              %ge3A_277 = vector.broadcast %ge3A_276 : i32 to vector<16xi32>
              %ge3A_278 = arith.cmpi sge, %add3A_275, %ge3A_277 : vector<16xi32>
              %and3A_279 = arith.andi %and3A, %ge3A_278 : vector<16xi1>
              %le3A_280 = arith.constant 11999 : i32
              %le3A_281 = vector.broadcast %le3A_280 : i32 to vector<16xi32>
              %le3A_282 = arith.cmpi sle, %add3A_275, %le3A_281 : vector<16xi32>
              %and3A_283 = arith.andi %and3A_279, %le3A_282 : vector<16xi1>
              %jit3A_284 = arith.constant -1.000000e+09 : f32
              %broadcast_in_dim3A_285 = vector.broadcast %jit3A_284 : f32 to vector<16xf32>
              %select_n3A_286 = arith.select %and3A_283, %get3A_263, %broadcast_in_dim3A_285 : vector<16xi1>, vector<16xf32>
              %le3A_287 = arith.constant 12000 : i32
              %le3A_288 = vector.broadcast %le3A_287 : i32 to vector<16xi32>
              %le3A_289 = arith.cmpi sle, %add3A_275, %le3A_288 : vector<16xi32>
              %gt3A_290 = arith.cmpf ogt, %select_n3A_286, %cond3A_181#2 : vector<16xf32>
              %and3A_291 = arith.andi %le3A_289, %gt3A_290 : vector<16xi1>
              %while3A:4 = scf.while (%while3A_292 = %and3A_291, %while3A_293 = %cond3A_181#0, %while3A_294 = %cond3A_181#1, %while3A_295 = %cond3A_181#2) : (vector<16xi1>, vector<16xf32>, vector<16xi32>, vector<16xf32>) -> (vector<16xi1>, vector<16xf32>, vector<16xi32>, vector<16xf32>) {
                %all_reduce_population_count3A_296 = tpu.all_reduce %while3A_292 {dim = 0 : i64, kind = #tpu.reduction_kind<sum>} : vector<16xi1> -> vector<16xi32>
                %slice3A_297 = vector.extract_strided_slice %all_reduce_population_count3A_296 {offsets = [0], sizes = [1], strides = [1]} : vector<16xi32> to vector<1xi32>
                %squeeze3A_298 = vector.extract %slice3A_297[0] : i32 from vector<1xi32>
                %gt3A_299 = arith.constant 0 : i32
                %gt3A_300 = arith.cmpi sgt, %squeeze3A_298, %gt3A_299 : i32
                scf.condition(%gt3A_300) %while3A_292, %while3A_293, %while3A_294, %while3A_295 : vector<16xi1>, vector<16xf32>, vector<16xi32>, vector<16xf32>
              } do {
              ^bb0(%while3A_292: vector<16xi1>, %while3A_293: vector<16xf32>, %while3A_294: vector<16xi32>, %while3A_295: vector<16xf32>):
                %all_reduce_ffs3A = tpu.all_reduce %while3A_292 {dim = 0 : i64, kind = #tpu.reduction_kind<find_first_set>} : vector<16xi1> -> vector<16xi32>
                %reshape3A = vector.shape_cast %all_reduce_ffs3A : vector<16xi32> to vector<16x1xi32>
                %gather3A = vector.shape_cast %reshape3A : vector<16x1xi32> to vector<16xi32>
                %gather3A_296 = tpu.dynamic_gather %select_n3A_286[%gather3A] in [0] : vector<16xf32>, vector<16xi32> -> vector<16xf32>
                %reshape3A_297 = vector.shape_cast %all_reduce_ffs3A : vector<16xi32> to vector<16x1xi32>
                %gather3A_298 = vector.shape_cast %reshape3A_297 : vector<16x1xi32> to vector<16xi32>
                %gather3A_299 = tpu.dynamic_gather %add3A_275[%gather3A_298] in [0] : vector<16xi32>, vector<16xi32> -> vector<16xi32>
                %gt3A_300 = arith.cmpf ogt, %gather3A_296, %while3A_295 : vector<16xf32>
                %xor3A = arith.constant 1 : i32
                %xor3A_301 = vector.broadcast %xor3A : i32 to vector<16xi32>
                %xor3A_302 = arith.xori %iota3A, %xor3A_301 : vector<16xi32>
                %reshape3A_303 = vector.shape_cast %xor3A_302 : vector<16xi32> to vector<16x1xi32>
                %gather3A_304 = vector.shape_cast %reshape3A_303 : vector<16x1xi32> to vector<16xi32>
                %gather3A_305 = tpu.dynamic_gather %while3A_293[%gather3A_304] in [0] : vector<16xf32>, vector<16xi32> -> vector<16xf32>
                %min3A = arith.minimumf %while3A_293, %gather3A_305 : vector<16xf32>
                %xor3A_306 = arith.constant 2 : i32
                %xor3A_307 = vector.broadcast %xor3A_306 : i32 to vector<16xi32>
                %xor3A_308 = arith.xori %iota3A, %xor3A_307 : vector<16xi32>
                %reshape3A_309 = vector.shape_cast %xor3A_308 : vector<16xi32> to vector<16x1xi32>
                %gather3A_310 = vector.shape_cast %reshape3A_309 : vector<16x1xi32> to vector<16xi32>
                %gather3A_311 = tpu.dynamic_gather %min3A[%gather3A_310] in [0] : vector<16xf32>, vector<16xi32> -> vector<16xf32>
                %min3A_312 = arith.minimumf %min3A, %gather3A_311 : vector<16xf32>
                %xor3A_313 = arith.constant 4 : i32
                %xor3A_314 = vector.broadcast %xor3A_313 : i32 to vector<16xi32>
                %xor3A_315 = arith.xori %iota3A, %xor3A_314 : vector<16xi32>
                %reshape3A_316 = vector.shape_cast %xor3A_315 : vector<16xi32> to vector<16x1xi32>
                %gather3A_317 = vector.shape_cast %reshape3A_316 : vector<16x1xi32> to vector<16xi32>
                %gather3A_318 = tpu.dynamic_gather %min3A_312[%gather3A_317] in [0] : vector<16xf32>, vector<16xi32> -> vector<16xf32>
                %min3A_319 = arith.minimumf %min3A_312, %gather3A_318 : vector<16xf32>
                %xor3A_320 = arith.constant 8 : i32
                %xor3A_321 = vector.broadcast %xor3A_320 : i32 to vector<16xi32>
                %xor3A_322 = arith.xori %iota3A, %xor3A_321 : vector<16xi32>
                %reshape3A_323 = vector.shape_cast %xor3A_322 : vector<16xi32> to vector<16x1xi32>
                %gather3A_324 = vector.shape_cast %reshape3A_323 : vector<16x1xi32> to vector<16xi32>
                %gather3A_325 = tpu.dynamic_gather %min3A_319[%gather3A_324] in [0] : vector<16xf32>, vector<16xi32> -> vector<16xf32>
                %min3A_326 = arith.minimumf %min3A_319, %gather3A_325 : vector<16xf32>
                %eq3A_327 = arith.cmpf oeq, %while3A_293, %min3A_326 : vector<16xf32>
                %jit3A_328 = arith.constant -1073741824 : i32
                %broadcast_in_dim3A_329 = vector.broadcast %jit3A_328 : i32 to vector<16xi32>
                %select_n3A_330 = arith.select %eq3A_327, %while3A_294, %broadcast_in_dim3A_329 : vector<16xi1>, vector<16xi32>
                %xor3A_331 = arith.constant 1 : i32
                %xor3A_332 = vector.broadcast %xor3A_331 : i32 to vector<16xi32>
                %xor3A_333 = arith.xori %iota3A, %xor3A_332 : vector<16xi32>
                %reshape3A_334 = vector.shape_cast %xor3A_333 : vector<16xi32> to vector<16x1xi32>
                %gather3A_335 = vector.shape_cast %reshape3A_334 : vector<16x1xi32> to vector<16xi32>
                %gather3A_336 = tpu.dynamic_gather %select_n3A_330[%gather3A_335] in [0] : vector<16xi32>, vector<16xi32> -> vector<16xi32>
                %max3A_337 = arith.maxsi %select_n3A_330, %gather3A_336 : vector<16xi32>
                %xor3A_338 = arith.constant 2 : i32
                %xor3A_339 = vector.broadcast %xor3A_338 : i32 to vector<16xi32>
                %xor3A_340 = arith.xori %iota3A, %xor3A_339 : vector<16xi32>
                %reshape3A_341 = vector.shape_cast %xor3A_340 : vector<16xi32> to vector<16x1xi32>
                %gather3A_342 = vector.shape_cast %reshape3A_341 : vector<16x1xi32> to vector<16xi32>
                %gather3A_343 = tpu.dynamic_gather %max3A_337[%gather3A_342] in [0] : vector<16xi32>, vector<16xi32> -> vector<16xi32>
                %max3A_344 = arith.maxsi %max3A_337, %gather3A_343 : vector<16xi32>
                %xor3A_345 = arith.constant 4 : i32
                %xor3A_346 = vector.broadcast %xor3A_345 : i32 to vector<16xi32>
                %xor3A_347 = arith.xori %iota3A, %xor3A_346 : vector<16xi32>
                %reshape3A_348 = vector.shape_cast %xor3A_347 : vector<16xi32> to vector<16x1xi32>
                %gather3A_349 = vector.shape_cast %reshape3A_348 : vector<16x1xi32> to vector<16xi32>
                %gather3A_350 = tpu.dynamic_gather %max3A_344[%gather3A_349] in [0] : vector<16xi32>, vector<16xi32> -> vector<16xi32>
                %max3A_351 = arith.maxsi %max3A_344, %gather3A_350 : vector<16xi32>
                %xor3A_352 = arith.constant 8 : i32
                %xor3A_353 = vector.broadcast %xor3A_352 : i32 to vector<16xi32>
                %xor3A_354 = arith.xori %iota3A, %xor3A_353 : vector<16xi32>
                %reshape3A_355 = vector.shape_cast %xor3A_354 : vector<16xi32> to vector<16x1xi32>
                %gather3A_356 = vector.shape_cast %reshape3A_355 : vector<16x1xi32> to vector<16xi32>
                %gather3A_357 = tpu.dynamic_gather %max3A_351[%gather3A_356] in [0] : vector<16xi32>, vector<16xi32> -> vector<16xi32>
                %max3A_358 = arith.maxsi %max3A_351, %gather3A_357 : vector<16xi32>
                %eq3A_359 = arith.cmpi eq, %while3A_294, %max3A_358 : vector<16xi32>
                %and3A_360 = arith.andi %eq3A_359, %gt3A_300 : vector<16xi1>
                %select_n3A_361 = arith.select %and3A_360, %gather3A_296, %while3A_293 : vector<16xi1>, vector<16xf32>
                %select_n3A_362 = arith.select %and3A_360, %gather3A_299, %while3A_294 : vector<16xi1>, vector<16xi32>
                %xor3A_363 = arith.constant 1 : i32
                %xor3A_364 = vector.broadcast %xor3A_363 : i32 to vector<16xi32>
                %xor3A_365 = arith.xori %iota3A, %xor3A_364 : vector<16xi32>
                %reshape3A_366 = vector.shape_cast %xor3A_365 : vector<16xi32> to vector<16x1xi32>
                %gather3A_367 = vector.shape_cast %reshape3A_366 : vector<16x1xi32> to vector<16xi32>
                %gather3A_368 = tpu.dynamic_gather %select_n3A_361[%gather3A_367] in [0] : vector<16xf32>, vector<16xi32> -> vector<16xf32>
                %min3A_369 = arith.minimumf %select_n3A_361, %gather3A_368 : vector<16xf32>
                %xor3A_370 = arith.constant 2 : i32
                %xor3A_371 = vector.broadcast %xor3A_370 : i32 to vector<16xi32>
                %xor3A_372 = arith.xori %iota3A, %xor3A_371 : vector<16xi32>
                %reshape3A_373 = vector.shape_cast %xor3A_372 : vector<16xi32> to vector<16x1xi32>
                %gather3A_374 = vector.shape_cast %reshape3A_373 : vector<16x1xi32> to vector<16xi32>
                %gather3A_375 = tpu.dynamic_gather %min3A_369[%gather3A_374] in [0] : vector<16xf32>, vector<16xi32> -> vector<16xf32>
                %min3A_376 = arith.minimumf %min3A_369, %gather3A_375 : vector<16xf32>
                %xor3A_377 = arith.constant 4 : i32
                %xor3A_378 = vector.broadcast %xor3A_377 : i32 to vector<16xi32>
                %xor3A_379 = arith.xori %iota3A, %xor3A_378 : vector<16xi32>
                %reshape3A_380 = vector.shape_cast %xor3A_379 : vector<16xi32> to vector<16x1xi32>
                %gather3A_381 = vector.shape_cast %reshape3A_380 : vector<16x1xi32> to vector<16xi32>
                %gather3A_382 = tpu.dynamic_gather %min3A_376[%gather3A_381] in [0] : vector<16xf32>, vector<16xi32> -> vector<16xf32>
                %min3A_383 = arith.minimumf %min3A_376, %gather3A_382 : vector<16xf32>
                %xor3A_384 = arith.constant 8 : i32
                %xor3A_385 = vector.broadcast %xor3A_384 : i32 to vector<16xi32>
                %xor3A_386 = arith.xori %iota3A, %xor3A_385 : vector<16xi32>
                %reshape3A_387 = vector.shape_cast %xor3A_386 : vector<16xi32> to vector<16x1xi32>
                %gather3A_388 = vector.shape_cast %reshape3A_387 : vector<16x1xi32> to vector<16xi32>
                %gather3A_389 = tpu.dynamic_gather %min3A_383[%gather3A_388] in [0] : vector<16xf32>, vector<16xi32> -> vector<16xf32>
                %min3A_390 = arith.minimumf %min3A_383, %gather3A_389 : vector<16xf32>
                %select_n3A_391 = arith.select %gt3A_300, %min3A_390, %while3A_295 : vector<16xi1>, vector<16xf32>
                %ne3A = arith.cmpi ne, %iota3A, %all_reduce_ffs3A : vector<16xi32>
                %and3A_392 = arith.andi %while3A_292, %ne3A : vector<16xi1>
                %gt3A_393 = arith.cmpf ogt, %select_n3A_286, %select_n3A_391 : vector<16xf32>
                %and3A_394 = arith.andi %and3A_392, %gt3A_393 : vector<16xi1>
                scf.yield %and3A_394, %select_n3A_361, %select_n3A_362, %select_n3A_391 : vector<16xi1>, vector<16xf32>, vector<16xi32>, vector<16xf32>
              }
              scf.yield %while3A#1, %while3A#2, %while3A#3 : vector<16xf32>, vector<16xi32>, vector<16xf32>
            } else {
              scf.yield %cond3A_181#0, %cond3A_181#1, %cond3A_181#2 : vector<16xf32>, vector<16xi32>, vector<16xf32>
            }
            %add3A_197 = arith.constant 64 : i32
            %add3A_198 = arith.addi %mul3A_83, %add3A_197 : i32
            %get3A_199 = arith.index_cast %scan3A_31 : i32 to index
            %get3A_200 = arith.index_cast %add3A_198 : i32 to index
            %get3A_201 = tpu.vector_load %arg5[%get3A_199, %get3A_200] {strides = array<i32>} : memref<8x12001xf32, #tpu.memory_space<vmem>>, vector<16xf32>,
            %gt3A_202 = arith.cmpf ogt, %get3A_201, %cond3A_196#2 : vector<16xf32>
            %all_reduce_population_count3A_203 = tpu.all_reduce %gt3A_202 {dim = 0 : i64, kind = #tpu.reduction_kind<sum>} : vector<16xi1> -> vector<16xi32>
            %slice3A_204 = vector.extract_strided_slice %all_reduce_population_count3A_203 {offsets = [0], sizes = [1], strides = [1]} : vector<16xi32> to vector<1xi32>
            %squeeze3A_205 = vector.extract %slice3A_204[0] : i32 from vector<1xi32>
            %gt3A_206 = arith.constant 0 : i32
            %gt3A_207 = arith.cmpi sgt, %squeeze3A_205, %gt3A_206 : i32
            %convert_element_type3A_208 = arith.extui %gt3A_207 : i1 to i32
            %cond3A_209 = arith.constant 0 : i32
            %cond3A_210 = arith.cmpi ne, %convert_element_type3A_208, %cond3A_209 : i32
            %cond3A_211:3 = scf.if %cond3A_210 -> (vector<16xf32>, vector<16xi32>, vector<16xf32>) {
              %mul3A_257 = arith.constant 128 : i32
              %mul3A_258 = arith.muli %mul3A_257, %scan3A_78 : i32
              %add3A_259 = arith.constant 64 : i32
              %add3A_260 = arith.addi %mul3A_258, %add3A_259 : i32
              %get3A_261 = arith.index_cast %scan3A_31 : i32 to index
              %get3A_262 = arith.index_cast %add3A_260 : i32 to index
              %get3A_263 = tpu.vector_load %arg5[%get3A_261, %get3A_262] {strides = array<i32>} : memref<8x12001xf32, #tpu.memory_space<vmem>>, vector<16xf32>,
              %sub3A_264 = arith.constant 1 : i32
              %sub3A_265 = arith.subi %add3A_260, %sub3A_264 : i32
              %get3A_266 = arith.index_cast %scan3A_31 : i32 to index
              %get3A_267 = arith.index_cast %sub3A_265 : i32 to index
              %get3A_268 = tpu.vector_load %arg5[%get3A_266, %get3A_267] {strides = array<i32>} : memref<8x12001xf32, #tpu.memory_space<vmem>>, vector<16xf32>,
              %add3A_269 = arith.constant 1 : i32
              %add3A_270 = arith.addi %add3A_260, %add3A_269 : i32
              %get3A_271 = arith.index_cast %scan3A_31 : i32 to index
              %get3A_272 = arith.index_cast %add3A_270 : i32 to index
              %get3A_273 = tpu.vector_load %arg5[%get3A_271, %get3A_272] {strides = array<i32>} : memref<8x12001xf32, #tpu.memory_space<vmem>>, vector<16xf32>,
              %add3A_274 = vector.broadcast %add3A_260 : i32 to vector<16xi32>
              %add3A_275 = arith.addi %add3A_274, %iota3A : vector<16xi32>
              %ge3A = arith.cmpf oge, %get3A_263, %get3A_268 : vector<16xf32>
              %le3A = arith.cmpf ole, %get3A_273, %get3A_263 : vector<16xf32>
              %and3A = arith.andi %ge3A, %le3A : vector<16xi1>
              %ge3A_276 = arith.constant 1 : i32
              %ge3A_277 = vector.broadcast %ge3A_276 : i32 to vector<16xi32>
              %ge3A_278 = arith.cmpi sge, %add3A_275, %ge3A_277 : vector<16xi32>
              %and3A_279 = arith.andi %and3A, %ge3A_278 : vector<16xi1>
              %le3A_280 = arith.constant 11999 : i32
              %le3A_281 = vector.broadcast %le3A_280 : i32 to vector<16xi32>
              %le3A_282 = arith.cmpi sle, %add3A_275, %le3A_281 : vector<16xi32>
              %and3A_283 = arith.andi %and3A_279, %le3A_282 : vector<16xi1>
              %jit3A_284 = arith.constant -1.000000e+09 : f32
              %broadcast_in_dim3A_285 = vector.broadcast %jit3A_284 : f32 to vector<16xf32>
              %select_n3A_286 = arith.select %and3A_283, %get3A_263, %broadcast_in_dim3A_285 : vector<16xi1>, vector<16xf32>
              %le3A_287 = arith.constant 12000 : i32
              %le3A_288 = vector.broadcast %le3A_287 : i32 to vector<16xi32>
              %le3A_289 = arith.cmpi sle, %add3A_275, %le3A_288 : vector<16xi32>
              %gt3A_290 = arith.cmpf ogt, %select_n3A_286, %cond3A_196#2 : vector<16xf32>
              %and3A_291 = arith.andi %le3A_289, %gt3A_290 : vector<16xi1>
              %while3A:4 = scf.while (%while3A_292 = %and3A_291, %while3A_293 = %cond3A_196#0, %while3A_294 = %cond3A_196#1, %while3A_295 = %cond3A_196#2) : (vector<16xi1>, vector<16xf32>, vector<16xi32>, vector<16xf32>) -> (vector<16xi1>, vector<16xf32>, vector<16xi32>, vector<16xf32>) {
                %all_reduce_population_count3A_296 = tpu.all_reduce %while3A_292 {dim = 0 : i64, kind = #tpu.reduction_kind<sum>} : vector<16xi1> -> vector<16xi32>
                %slice3A_297 = vector.extract_strided_slice %all_reduce_population_count3A_296 {offsets = [0], sizes = [1], strides = [1]} : vector<16xi32> to vector<1xi32>
                %squeeze3A_298 = vector.extract %slice3A_297[0] : i32 from vector<1xi32>
                %gt3A_299 = arith.constant 0 : i32
                %gt3A_300 = arith.cmpi sgt, %squeeze3A_298, %gt3A_299 : i32
                scf.condition(%gt3A_300) %while3A_292, %while3A_293, %while3A_294, %while3A_295 : vector<16xi1>, vector<16xf32>, vector<16xi32>, vector<16xf32>
              } do {
              ^bb0(%while3A_292: vector<16xi1>, %while3A_293: vector<16xf32>, %while3A_294: vector<16xi32>, %while3A_295: vector<16xf32>):
                %all_reduce_ffs3A = tpu.all_reduce %while3A_292 {dim = 0 : i64, kind = #tpu.reduction_kind<find_first_set>} : vector<16xi1> -> vector<16xi32>
                %reshape3A = vector.shape_cast %all_reduce_ffs3A : vector<16xi32> to vector<16x1xi32>
                %gather3A = vector.shape_cast %reshape3A : vector<16x1xi32> to vector<16xi32>
                %gather3A_296 = tpu.dynamic_gather %select_n3A_286[%gather3A] in [0] : vector<16xf32>, vector<16xi32> -> vector<16xf32>
                %reshape3A_297 = vector.shape_cast %all_reduce_ffs3A : vector<16xi32> to vector<16x1xi32>
                %gather3A_298 = vector.shape_cast %reshape3A_297 : vector<16x1xi32> to vector<16xi32>
                %gather3A_299 = tpu.dynamic_gather %add3A_275[%gather3A_298] in [0] : vector<16xi32>, vector<16xi32> -> vector<16xi32>
                %gt3A_300 = arith.cmpf ogt, %gather3A_296, %while3A_295 : vector<16xf32>
                %xor3A = arith.constant 1 : i32
                %xor3A_301 = vector.broadcast %xor3A : i32 to vector<16xi32>
                %xor3A_302 = arith.xori %iota3A, %xor3A_301 : vector<16xi32>
                %reshape3A_303 = vector.shape_cast %xor3A_302 : vector<16xi32> to vector<16x1xi32>
                %gather3A_304 = vector.shape_cast %reshape3A_303 : vector<16x1xi32> to vector<16xi32>
                %gather3A_305 = tpu.dynamic_gather %while3A_293[%gather3A_304] in [0] : vector<16xf32>, vector<16xi32> -> vector<16xf32>
                %min3A = arith.minimumf %while3A_293, %gather3A_305 : vector<16xf32>
                %xor3A_306 = arith.constant 2 : i32
                %xor3A_307 = vector.broadcast %xor3A_306 : i32 to vector<16xi32>
                %xor3A_308 = arith.xori %iota3A, %xor3A_307 : vector<16xi32>
                %reshape3A_309 = vector.shape_cast %xor3A_308 : vector<16xi32> to vector<16x1xi32>
                %gather3A_310 = vector.shape_cast %reshape3A_309 : vector<16x1xi32> to vector<16xi32>
                %gather3A_311 = tpu.dynamic_gather %min3A[%gather3A_310] in [0] : vector<16xf32>, vector<16xi32> -> vector<16xf32>
                %min3A_312 = arith.minimumf %min3A, %gather3A_311 : vector<16xf32>
                %xor3A_313 = arith.constant 4 : i32
                %xor3A_314 = vector.broadcast %xor3A_313 : i32 to vector<16xi32>
                %xor3A_315 = arith.xori %iota3A, %xor3A_314 : vector<16xi32>
                %reshape3A_316 = vector.shape_cast %xor3A_315 : vector<16xi32> to vector<16x1xi32>
                %gather3A_317 = vector.shape_cast %reshape3A_316 : vector<16x1xi32> to vector<16xi32>
                %gather3A_318 = tpu.dynamic_gather %min3A_312[%gather3A_317] in [0] : vector<16xf32>, vector<16xi32> -> vector<16xf32>
                %min3A_319 = arith.minimumf %min3A_312, %gather3A_318 : vector<16xf32>
                %xor3A_320 = arith.constant 8 : i32
                %xor3A_321 = vector.broadcast %xor3A_320 : i32 to vector<16xi32>
                %xor3A_322 = arith.xori %iota3A, %xor3A_321 : vector<16xi32>
                %reshape3A_323 = vector.shape_cast %xor3A_322 : vector<16xi32> to vector<16x1xi32>
                %gather3A_324 = vector.shape_cast %reshape3A_323 : vector<16x1xi32> to vector<16xi32>
                %gather3A_325 = tpu.dynamic_gather %min3A_319[%gather3A_324] in [0] : vector<16xf32>, vector<16xi32> -> vector<16xf32>
                %min3A_326 = arith.minimumf %min3A_319, %gather3A_325 : vector<16xf32>
                %eq3A_327 = arith.cmpf oeq, %while3A_293, %min3A_326 : vector<16xf32>
                %jit3A_328 = arith.constant -1073741824 : i32
                %broadcast_in_dim3A_329 = vector.broadcast %jit3A_328 : i32 to vector<16xi32>
                %select_n3A_330 = arith.select %eq3A_327, %while3A_294, %broadcast_in_dim3A_329 : vector<16xi1>, vector<16xi32>
                %xor3A_331 = arith.constant 1 : i32
                %xor3A_332 = vector.broadcast %xor3A_331 : i32 to vector<16xi32>
                %xor3A_333 = arith.xori %iota3A, %xor3A_332 : vector<16xi32>
                %reshape3A_334 = vector.shape_cast %xor3A_333 : vector<16xi32> to vector<16x1xi32>
                %gather3A_335 = vector.shape_cast %reshape3A_334 : vector<16x1xi32> to vector<16xi32>
                %gather3A_336 = tpu.dynamic_gather %select_n3A_330[%gather3A_335] in [0] : vector<16xi32>, vector<16xi32> -> vector<16xi32>
                %max3A_337 = arith.maxsi %select_n3A_330, %gather3A_336 : vector<16xi32>
                %xor3A_338 = arith.constant 2 : i32
                %xor3A_339 = vector.broadcast %xor3A_338 : i32 to vector<16xi32>
                %xor3A_340 = arith.xori %iota3A, %xor3A_339 : vector<16xi32>
                %reshape3A_341 = vector.shape_cast %xor3A_340 : vector<16xi32> to vector<16x1xi32>
                %gather3A_342 = vector.shape_cast %reshape3A_341 : vector<16x1xi32> to vector<16xi32>
                %gather3A_343 = tpu.dynamic_gather %max3A_337[%gather3A_342] in [0] : vector<16xi32>, vector<16xi32> -> vector<16xi32>
                %max3A_344 = arith.maxsi %max3A_337, %gather3A_343 : vector<16xi32>
                %xor3A_345 = arith.constant 4 : i32
                %xor3A_346 = vector.broadcast %xor3A_345 : i32 to vector<16xi32>
                %xor3A_347 = arith.xori %iota3A, %xor3A_346 : vector<16xi32>
                %reshape3A_348 = vector.shape_cast %xor3A_347 : vector<16xi32> to vector<16x1xi32>
                %gather3A_349 = vector.shape_cast %reshape3A_348 : vector<16x1xi32> to vector<16xi32>
                %gather3A_350 = tpu.dynamic_gather %max3A_344[%gather3A_349] in [0] : vector<16xi32>, vector<16xi32> -> vector<16xi32>
                %max3A_351 = arith.maxsi %max3A_344, %gather3A_350 : vector<16xi32>
                %xor3A_352 = arith.constant 8 : i32
                %xor3A_353 = vector.broadcast %xor3A_352 : i32 to vector<16xi32>
                %xor3A_354 = arith.xori %iota3A, %xor3A_353 : vector<16xi32>
                %reshape3A_355 = vector.shape_cast %xor3A_354 : vector<16xi32> to vector<16x1xi32>
                %gather3A_356 = vector.shape_cast %reshape3A_355 : vector<16x1xi32> to vector<16xi32>
                %gather3A_357 = tpu.dynamic_gather %max3A_351[%gather3A_356] in [0] : vector<16xi32>, vector<16xi32> -> vector<16xi32>
                %max3A_358 = arith.maxsi %max3A_351, %gather3A_357 : vector<16xi32>
                %eq3A_359 = arith.cmpi eq, %while3A_294, %max3A_358 : vector<16xi32>
                %and3A_360 = arith.andi %eq3A_359, %gt3A_300 : vector<16xi1>
                %select_n3A_361 = arith.select %and3A_360, %gather3A_296, %while3A_293 : vector<16xi1>, vector<16xf32>
                %select_n3A_362 = arith.select %and3A_360, %gather3A_299, %while3A_294 : vector<16xi1>, vector<16xi32>
                %xor3A_363 = arith.constant 1 : i32
                %xor3A_364 = vector.broadcast %xor3A_363 : i32 to vector<16xi32>
                %xor3A_365 = arith.xori %iota3A, %xor3A_364 : vector<16xi32>
                %reshape3A_366 = vector.shape_cast %xor3A_365 : vector<16xi32> to vector<16x1xi32>
                %gather3A_367 = vector.shape_cast %reshape3A_366 : vector<16x1xi32> to vector<16xi32>
                %gather3A_368 = tpu.dynamic_gather %select_n3A_361[%gather3A_367] in [0] : vector<16xf32>, vector<16xi32> -> vector<16xf32>
                %min3A_369 = arith.minimumf %select_n3A_361, %gather3A_368 : vector<16xf32>
                %xor3A_370 = arith.constant 2 : i32
                %xor3A_371 = vector.broadcast %xor3A_370 : i32 to vector<16xi32>
                %xor3A_372 = arith.xori %iota3A, %xor3A_371 : vector<16xi32>
                %reshape3A_373 = vector.shape_cast %xor3A_372 : vector<16xi32> to vector<16x1xi32>
                %gather3A_374 = vector.shape_cast %reshape3A_373 : vector<16x1xi32> to vector<16xi32>
                %gather3A_375 = tpu.dynamic_gather %min3A_369[%gather3A_374] in [0] : vector<16xf32>, vector<16xi32> -> vector<16xf32>
                %min3A_376 = arith.minimumf %min3A_369, %gather3A_375 : vector<16xf32>
                %xor3A_377 = arith.constant 4 : i32
                %xor3A_378 = vector.broadcast %xor3A_377 : i32 to vector<16xi32>
                %xor3A_379 = arith.xori %iota3A, %xor3A_378 : vector<16xi32>
                %reshape3A_380 = vector.shape_cast %xor3A_379 : vector<16xi32> to vector<16x1xi32>
                %gather3A_381 = vector.shape_cast %reshape3A_380 : vector<16x1xi32> to vector<16xi32>
                %gather3A_382 = tpu.dynamic_gather %min3A_376[%gather3A_381] in [0] : vector<16xf32>, vector<16xi32> -> vector<16xf32>
                %min3A_383 = arith.minimumf %min3A_376, %gather3A_382 : vector<16xf32>
                %xor3A_384 = arith.constant 8 : i32
                %xor3A_385 = vector.broadcast %xor3A_384 : i32 to vector<16xi32>
                %xor3A_386 = arith.xori %iota3A, %xor3A_385 : vector<16xi32>
                %reshape3A_387 = vector.shape_cast %xor3A_386 : vector<16xi32> to vector<16x1xi32>
                %gather3A_388 = vector.shape_cast %reshape3A_387 : vector<16x1xi32> to vector<16xi32>
                %gather3A_389 = tpu.dynamic_gather %min3A_383[%gather3A_388] in [0] : vector<16xf32>, vector<16xi32> -> vector<16xf32>
                %min3A_390 = arith.minimumf %min3A_383, %gather3A_389 : vector<16xf32>
                %select_n3A_391 = arith.select %gt3A_300, %min3A_390, %while3A_295 : vector<16xi1>, vector<16xf32>
                %ne3A = arith.cmpi ne, %iota3A, %all_reduce_ffs3A : vector<16xi32>
                %and3A_392 = arith.andi %while3A_292, %ne3A : vector<16xi1>
                %gt3A_393 = arith.cmpf ogt, %select_n3A_286, %select_n3A_391 : vector<16xf32>
                %and3A_394 = arith.andi %and3A_392, %gt3A_393 : vector<16xi1>
                scf.yield %and3A_394, %select_n3A_361, %select_n3A_362, %select_n3A_391 : vector<16xi1>, vector<16xf32>, vector<16xi32>, vector<16xf32>
              }
              scf.yield %while3A#1, %while3A#2, %while3A#3 : vector<16xf32>, vector<16xi32>, vector<16xf32>
            } else {
              scf.yield %cond3A_196#0, %cond3A_196#1, %cond3A_196#2 : vector<16xf32>, vector<16xi32>, vector<16xf32>
            }
            %add3A_212 = arith.constant 80 : i32
            %add3A_213 = arith.addi %mul3A_83, %add3A_212 : i32
            %get3A_214 = arith.index_cast %scan3A_31 : i32 to index
            %get3A_215 = arith.index_cast %add3A_213 : i32 to index
            %get3A_216 = tpu.vector_load %arg5[%get3A_214, %get3A_215] {strides = array<i32>} : memref<8x12001xf32, #tpu.memory_space<vmem>>, vector<16xf32>,
            %gt3A_217 = arith.cmpf ogt, %get3A_216, %cond3A_211#2 : vector<16xf32>
            %all_reduce_population_count3A_218 = tpu.all_reduce %gt3A_217 {dim = 0 : i64, kind = #tpu.reduction_kind<sum>} : vector<16xi1> -> vector<16xi32>
            %slice3A_219 = vector.extract_strided_slice %all_reduce_population_count3A_218 {offsets = [0], sizes = [1], strides = [1]} : vector<16xi32> to vector<1xi32>
            %squeeze3A_220 = vector.extract %slice3A_219[0] : i32 from vector<1xi32>
            %gt3A_221 = arith.constant 0 : i32
            %gt3A_222 = arith.cmpi sgt, %squeeze3A_220, %gt3A_221 : i32
            %convert_element_type3A_223 = arith.extui %gt3A_222 : i1 to i32
            %cond3A_224 = arith.constant 0 : i32
            %cond3A_225 = arith.cmpi ne, %convert_element_type3A_223, %cond3A_224 : i32
            %cond3A_226:3 = scf.if %cond3A_225 -> (vector<16xf32>, vector<16xi32>, vector<16xf32>) {
              %mul3A_257 = arith.constant 128 : i32
              %mul3A_258 = arith.muli %mul3A_257, %scan3A_78 : i32
              %add3A_259 = arith.constant 80 : i32
              %add3A_260 = arith.addi %mul3A_258, %add3A_259 : i32
              %get3A_261 = arith.index_cast %scan3A_31 : i32 to index
              %get3A_262 = arith.index_cast %add3A_260 : i32 to index
              %get3A_263 = tpu.vector_load %arg5[%get3A_261, %get3A_262] {strides = array<i32>} : memref<8x12001xf32, #tpu.memory_space<vmem>>, vector<16xf32>,
              %sub3A_264 = arith.constant 1 : i32
              %sub3A_265 = arith.subi %add3A_260, %sub3A_264 : i32
              %get3A_266 = arith.index_cast %scan3A_31 : i32 to index
              %get3A_267 = arith.index_cast %sub3A_265 : i32 to index
              %get3A_268 = tpu.vector_load %arg5[%get3A_266, %get3A_267] {strides = array<i32>} : memref<8x12001xf32, #tpu.memory_space<vmem>>, vector<16xf32>,
              %add3A_269 = arith.constant 1 : i32
              %add3A_270 = arith.addi %add3A_260, %add3A_269 : i32
              %get3A_271 = arith.index_cast %scan3A_31 : i32 to index
              %get3A_272 = arith.index_cast %add3A_270 : i32 to index
              %get3A_273 = tpu.vector_load %arg5[%get3A_271, %get3A_272] {strides = array<i32>} : memref<8x12001xf32, #tpu.memory_space<vmem>>, vector<16xf32>,
              %add3A_274 = vector.broadcast %add3A_260 : i32 to vector<16xi32>
              %add3A_275 = arith.addi %add3A_274, %iota3A : vector<16xi32>
              %ge3A = arith.cmpf oge, %get3A_263, %get3A_268 : vector<16xf32>
              %le3A = arith.cmpf ole, %get3A_273, %get3A_263 : vector<16xf32>
              %and3A = arith.andi %ge3A, %le3A : vector<16xi1>
              %ge3A_276 = arith.constant 1 : i32
              %ge3A_277 = vector.broadcast %ge3A_276 : i32 to vector<16xi32>
              %ge3A_278 = arith.cmpi sge, %add3A_275, %ge3A_277 : vector<16xi32>
              %and3A_279 = arith.andi %and3A, %ge3A_278 : vector<16xi1>
              %le3A_280 = arith.constant 11999 : i32
              %le3A_281 = vector.broadcast %le3A_280 : i32 to vector<16xi32>
              %le3A_282 = arith.cmpi sle, %add3A_275, %le3A_281 : vector<16xi32>
              %and3A_283 = arith.andi %and3A_279, %le3A_282 : vector<16xi1>
              %jit3A_284 = arith.constant -1.000000e+09 : f32
              %broadcast_in_dim3A_285 = vector.broadcast %jit3A_284 : f32 to vector<16xf32>
              %select_n3A_286 = arith.select %and3A_283, %get3A_263, %broadcast_in_dim3A_285 : vector<16xi1>, vector<16xf32>
              %le3A_287 = arith.constant 12000 : i32
              %le3A_288 = vector.broadcast %le3A_287 : i32 to vector<16xi32>
              %le3A_289 = arith.cmpi sle, %add3A_275, %le3A_288 : vector<16xi32>
              %gt3A_290 = arith.cmpf ogt, %select_n3A_286, %cond3A_211#2 : vector<16xf32>
              %and3A_291 = arith.andi %le3A_289, %gt3A_290 : vector<16xi1>
              %while3A:4 = scf.while (%while3A_292 = %and3A_291, %while3A_293 = %cond3A_211#0, %while3A_294 = %cond3A_211#1, %while3A_295 = %cond3A_211#2) : (vector<16xi1>, vector<16xf32>, vector<16xi32>, vector<16xf32>) -> (vector<16xi1>, vector<16xf32>, vector<16xi32>, vector<16xf32>) {
                %all_reduce_population_count3A_296 = tpu.all_reduce %while3A_292 {dim = 0 : i64, kind = #tpu.reduction_kind<sum>} : vector<16xi1> -> vector<16xi32>
                %slice3A_297 = vector.extract_strided_slice %all_reduce_population_count3A_296 {offsets = [0], sizes = [1], strides = [1]} : vector<16xi32> to vector<1xi32>
                %squeeze3A_298 = vector.extract %slice3A_297[0] : i32 from vector<1xi32>
                %gt3A_299 = arith.constant 0 : i32
                %gt3A_300 = arith.cmpi sgt, %squeeze3A_298, %gt3A_299 : i32
                scf.condition(%gt3A_300) %while3A_292, %while3A_293, %while3A_294, %while3A_295 : vector<16xi1>, vector<16xf32>, vector<16xi32>, vector<16xf32>
              } do {
              ^bb0(%while3A_292: vector<16xi1>, %while3A_293: vector<16xf32>, %while3A_294: vector<16xi32>, %while3A_295: vector<16xf32>):
                %all_reduce_ffs3A = tpu.all_reduce %while3A_292 {dim = 0 : i64, kind = #tpu.reduction_kind<find_first_set>} : vector<16xi1> -> vector<16xi32>
                %reshape3A = vector.shape_cast %all_reduce_ffs3A : vector<16xi32> to vector<16x1xi32>
                %gather3A = vector.shape_cast %reshape3A : vector<16x1xi32> to vector<16xi32>
                %gather3A_296 = tpu.dynamic_gather %select_n3A_286[%gather3A] in [0] : vector<16xf32>, vector<16xi32> -> vector<16xf32>
                %reshape3A_297 = vector.shape_cast %all_reduce_ffs3A : vector<16xi32> to vector<16x1xi32>
                %gather3A_298 = vector.shape_cast %reshape3A_297 : vector<16x1xi32> to vector<16xi32>
                %gather3A_299 = tpu.dynamic_gather %add3A_275[%gather3A_298] in [0] : vector<16xi32>, vector<16xi32> -> vector<16xi32>
                %gt3A_300 = arith.cmpf ogt, %gather3A_296, %while3A_295 : vector<16xf32>
                %xor3A = arith.constant 1 : i32
                %xor3A_301 = vector.broadcast %xor3A : i32 to vector<16xi32>
                %xor3A_302 = arith.xori %iota3A, %xor3A_301 : vector<16xi32>
                %reshape3A_303 = vector.shape_cast %xor3A_302 : vector<16xi32> to vector<16x1xi32>
                %gather3A_304 = vector.shape_cast %reshape3A_303 : vector<16x1xi32> to vector<16xi32>
                %gather3A_305 = tpu.dynamic_gather %while3A_293[%gather3A_304] in [0] : vector<16xf32>, vector<16xi32> -> vector<16xf32>
                %min3A = arith.minimumf %while3A_293, %gather3A_305 : vector<16xf32>
                %xor3A_306 = arith.constant 2 : i32
                %xor3A_307 = vector.broadcast %xor3A_306 : i32 to vector<16xi32>
                %xor3A_308 = arith.xori %iota3A, %xor3A_307 : vector<16xi32>
                %reshape3A_309 = vector.shape_cast %xor3A_308 : vector<16xi32> to vector<16x1xi32>
                %gather3A_310 = vector.shape_cast %reshape3A_309 : vector<16x1xi32> to vector<16xi32>
                %gather3A_311 = tpu.dynamic_gather %min3A[%gather3A_310] in [0] : vector<16xf32>, vector<16xi32> -> vector<16xf32>
                %min3A_312 = arith.minimumf %min3A, %gather3A_311 : vector<16xf32>
                %xor3A_313 = arith.constant 4 : i32
                %xor3A_314 = vector.broadcast %xor3A_313 : i32 to vector<16xi32>
                %xor3A_315 = arith.xori %iota3A, %xor3A_314 : vector<16xi32>
                %reshape3A_316 = vector.shape_cast %xor3A_315 : vector<16xi32> to vector<16x1xi32>
                %gather3A_317 = vector.shape_cast %reshape3A_316 : vector<16x1xi32> to vector<16xi32>
                %gather3A_318 = tpu.dynamic_gather %min3A_312[%gather3A_317] in [0] : vector<16xf32>, vector<16xi32> -> vector<16xf32>
                %min3A_319 = arith.minimumf %min3A_312, %gather3A_318 : vector<16xf32>
                %xor3A_320 = arith.constant 8 : i32
                %xor3A_321 = vector.broadcast %xor3A_320 : i32 to vector<16xi32>
                %xor3A_322 = arith.xori %iota3A, %xor3A_321 : vector<16xi32>
                %reshape3A_323 = vector.shape_cast %xor3A_322 : vector<16xi32> to vector<16x1xi32>
                %gather3A_324 = vector.shape_cast %reshape3A_323 : vector<16x1xi32> to vector<16xi32>
                %gather3A_325 = tpu.dynamic_gather %min3A_319[%gather3A_324] in [0] : vector<16xf32>, vector<16xi32> -> vector<16xf32>
                %min3A_326 = arith.minimumf %min3A_319, %gather3A_325 : vector<16xf32>
                %eq3A_327 = arith.cmpf oeq, %while3A_293, %min3A_326 : vector<16xf32>
                %jit3A_328 = arith.constant -1073741824 : i32
                %broadcast_in_dim3A_329 = vector.broadcast %jit3A_328 : i32 to vector<16xi32>
                %select_n3A_330 = arith.select %eq3A_327, %while3A_294, %broadcast_in_dim3A_329 : vector<16xi1>, vector<16xi32>
                %xor3A_331 = arith.constant 1 : i32
                %xor3A_332 = vector.broadcast %xor3A_331 : i32 to vector<16xi32>
                %xor3A_333 = arith.xori %iota3A, %xor3A_332 : vector<16xi32>
                %reshape3A_334 = vector.shape_cast %xor3A_333 : vector<16xi32> to vector<16x1xi32>
                %gather3A_335 = vector.shape_cast %reshape3A_334 : vector<16x1xi32> to vector<16xi32>
                %gather3A_336 = tpu.dynamic_gather %select_n3A_330[%gather3A_335] in [0] : vector<16xi32>, vector<16xi32> -> vector<16xi32>
                %max3A_337 = arith.maxsi %select_n3A_330, %gather3A_336 : vector<16xi32>
                %xor3A_338 = arith.constant 2 : i32
                %xor3A_339 = vector.broadcast %xor3A_338 : i32 to vector<16xi32>
                %xor3A_340 = arith.xori %iota3A, %xor3A_339 : vector<16xi32>
                %reshape3A_341 = vector.shape_cast %xor3A_340 : vector<16xi32> to vector<16x1xi32>
                %gather3A_342 = vector.shape_cast %reshape3A_341 : vector<16x1xi32> to vector<16xi32>
                %gather3A_343 = tpu.dynamic_gather %max3A_337[%gather3A_342] in [0] : vector<16xi32>, vector<16xi32> -> vector<16xi32>
                %max3A_344 = arith.maxsi %max3A_337, %gather3A_343 : vector<16xi32>
                %xor3A_345 = arith.constant 4 : i32
                %xor3A_346 = vector.broadcast %xor3A_345 : i32 to vector<16xi32>
                %xor3A_347 = arith.xori %iota3A, %xor3A_346 : vector<16xi32>
                %reshape3A_348 = vector.shape_cast %xor3A_347 : vector<16xi32> to vector<16x1xi32>
                %gather3A_349 = vector.shape_cast %reshape3A_348 : vector<16x1xi32> to vector<16xi32>
                %gather3A_350 = tpu.dynamic_gather %max3A_344[%gather3A_349] in [0] : vector<16xi32>, vector<16xi32> -> vector<16xi32>
                %max3A_351 = arith.maxsi %max3A_344, %gather3A_350 : vector<16xi32>
                %xor3A_352 = arith.constant 8 : i32
                %xor3A_353 = vector.broadcast %xor3A_352 : i32 to vector<16xi32>
                %xor3A_354 = arith.xori %iota3A, %xor3A_353 : vector<16xi32>
                %reshape3A_355 = vector.shape_cast %xor3A_354 : vector<16xi32> to vector<16x1xi32>
                %gather3A_356 = vector.shape_cast %reshape3A_355 : vector<16x1xi32> to vector<16xi32>
                %gather3A_357 = tpu.dynamic_gather %max3A_351[%gather3A_356] in [0] : vector<16xi32>, vector<16xi32> -> vector<16xi32>
                %max3A_358 = arith.maxsi %max3A_351, %gather3A_357 : vector<16xi32>
                %eq3A_359 = arith.cmpi eq, %while3A_294, %max3A_358 : vector<16xi32>
                %and3A_360 = arith.andi %eq3A_359, %gt3A_300 : vector<16xi1>
                %select_n3A_361 = arith.select %and3A_360, %gather3A_296, %while3A_293 : vector<16xi1>, vector<16xf32>
                %select_n3A_362 = arith.select %and3A_360, %gather3A_299, %while3A_294 : vector<16xi1>, vector<16xi32>
                %xor3A_363 = arith.constant 1 : i32
                %xor3A_364 = vector.broadcast %xor3A_363 : i32 to vector<16xi32>
                %xor3A_365 = arith.xori %iota3A, %xor3A_364 : vector<16xi32>
                %reshape3A_366 = vector.shape_cast %xor3A_365 : vector<16xi32> to vector<16x1xi32>
                %gather3A_367 = vector.shape_cast %reshape3A_366 : vector<16x1xi32> to vector<16xi32>
                %gather3A_368 = tpu.dynamic_gather %select_n3A_361[%gather3A_367] in [0] : vector<16xf32>, vector<16xi32> -> vector<16xf32>
                %min3A_369 = arith.minimumf %select_n3A_361, %gather3A_368 : vector<16xf32>
                %xor3A_370 = arith.constant 2 : i32
                %xor3A_371 = vector.broadcast %xor3A_370 : i32 to vector<16xi32>
                %xor3A_372 = arith.xori %iota3A, %xor3A_371 : vector<16xi32>
                %reshape3A_373 = vector.shape_cast %xor3A_372 : vector<16xi32> to vector<16x1xi32>
                %gather3A_374 = vector.shape_cast %reshape3A_373 : vector<16x1xi32> to vector<16xi32>
                %gather3A_375 = tpu.dynamic_gather %min3A_369[%gather3A_374] in [0] : vector<16xf32>, vector<16xi32> -> vector<16xf32>
                %min3A_376 = arith.minimumf %min3A_369, %gather3A_375 : vector<16xf32>
                %xor3A_377 = arith.constant 4 : i32
                %xor3A_378 = vector.broadcast %xor3A_377 : i32 to vector<16xi32>
                %xor3A_379 = arith.xori %iota3A, %xor3A_378 : vector<16xi32>
                %reshape3A_380 = vector.shape_cast %xor3A_379 : vector<16xi32> to vector<16x1xi32>
                %gather3A_381 = vector.shape_cast %reshape3A_380 : vector<16x1xi32> to vector<16xi32>
                %gather3A_382 = tpu.dynamic_gather %min3A_376[%gather3A_381] in [0] : vector<16xf32>, vector<16xi32> -> vector<16xf32>
                %min3A_383 = arith.minimumf %min3A_376, %gather3A_382 : vector<16xf32>
                %xor3A_384 = arith.constant 8 : i32
                %xor3A_385 = vector.broadcast %xor3A_384 : i32 to vector<16xi32>
                %xor3A_386 = arith.xori %iota3A, %xor3A_385 : vector<16xi32>
                %reshape3A_387 = vector.shape_cast %xor3A_386 : vector<16xi32> to vector<16x1xi32>
                %gather3A_388 = vector.shape_cast %reshape3A_387 : vector<16x1xi32> to vector<16xi32>
                %gather3A_389 = tpu.dynamic_gather %min3A_383[%gather3A_388] in [0] : vector<16xf32>, vector<16xi32> -> vector<16xf32>
                %min3A_390 = arith.minimumf %min3A_383, %gather3A_389 : vector<16xf32>
                %select_n3A_391 = arith.select %gt3A_300, %min3A_390, %while3A_295 : vector<16xi1>, vector<16xf32>
                %ne3A = arith.cmpi ne, %iota3A, %all_reduce_ffs3A : vector<16xi32>
                %and3A_392 = arith.andi %while3A_292, %ne3A : vector<16xi1>
                %gt3A_393 = arith.cmpf ogt, %select_n3A_286, %select_n3A_391 : vector<16xf32>
                %and3A_394 = arith.andi %and3A_392, %gt3A_393 : vector<16xi1>
                scf.yield %and3A_394, %select_n3A_361, %select_n3A_362, %select_n3A_391 : vector<16xi1>, vector<16xf32>, vector<16xi32>, vector<16xf32>
              }
              scf.yield %while3A#1, %while3A#2, %while3A#3 : vector<16xf32>, vector<16xi32>, vector<16xf32>
            } else {
              scf.yield %cond3A_211#0, %cond3A_211#1, %cond3A_211#2 : vector<16xf32>, vector<16xi32>, vector<16xf32>
            }
            %add3A_227 = arith.constant 96 : i32
            %add3A_228 = arith.addi %mul3A_83, %add3A_227 : i32
            %get3A_229 = arith.index_cast %scan3A_31 : i32 to index
            %get3A_230 = arith.index_cast %add3A_228 : i32 to index
            %get3A_231 = tpu.vector_load %arg5[%get3A_229, %get3A_230] {strides = array<i32>} : memref<8x12001xf32, #tpu.memory_space<vmem>>, vector<16xf32>,
            %gt3A_232 = arith.cmpf ogt, %get3A_231, %cond3A_226#2 : vector<16xf32>
            %all_reduce_population_count3A_233 = tpu.all_reduce %gt3A_232 {dim = 0 : i64, kind = #tpu.reduction_kind<sum>} : vector<16xi1> -> vector<16xi32>
            %slice3A_234 = vector.extract_strided_slice %all_reduce_population_count3A_233 {offsets = [0], sizes = [1], strides = [1]} : vector<16xi32> to vector<1xi32>
            %squeeze3A_235 = vector.extract %slice3A_234[0] : i32 from vector<1xi32>
            %gt3A_236 = arith.constant 0 : i32
            %gt3A_237 = arith.cmpi sgt, %squeeze3A_235, %gt3A_236 : i32
            %convert_element_type3A_238 = arith.extui %gt3A_237 : i1 to i32
            %cond3A_239 = arith.constant 0 : i32
            %cond3A_240 = arith.cmpi ne, %convert_element_type3A_238, %cond3A_239 : i32
            %cond3A_241:3 = scf.if %cond3A_240 -> (vector<16xf32>, vector<16xi32>, vector<16xf32>) {
              %mul3A_257 = arith.constant 128 : i32
              %mul3A_258 = arith.muli %mul3A_257, %scan3A_78 : i32
              %add3A_259 = arith.constant 96 : i32
              %add3A_260 = arith.addi %mul3A_258, %add3A_259 : i32
              %get3A_261 = arith.index_cast %scan3A_31 : i32 to index
              %get3A_262 = arith.index_cast %add3A_260 : i32 to index
              %get3A_263 = tpu.vector_load %arg5[%get3A_261, %get3A_262] {strides = array<i32>} : memref<8x12001xf32, #tpu.memory_space<vmem>>, vector<16xf32>,
              %sub3A_264 = arith.constant 1 : i32
              %sub3A_265 = arith.subi %add3A_260, %sub3A_264 : i32
              %get3A_266 = arith.index_cast %scan3A_31 : i32 to index
              %get3A_267 = arith.index_cast %sub3A_265 : i32 to index
              %get3A_268 = tpu.vector_load %arg5[%get3A_266, %get3A_267] {strides = array<i32>} : memref<8x12001xf32, #tpu.memory_space<vmem>>, vector<16xf32>,
              %add3A_269 = arith.constant 1 : i32
              %add3A_270 = arith.addi %add3A_260, %add3A_269 : i32
              %get3A_271 = arith.index_cast %scan3A_31 : i32 to index
              %get3A_272 = arith.index_cast %add3A_270 : i32 to index
              %get3A_273 = tpu.vector_load %arg5[%get3A_271, %get3A_272] {strides = array<i32>} : memref<8x12001xf32, #tpu.memory_space<vmem>>, vector<16xf32>,
              %add3A_274 = vector.broadcast %add3A_260 : i32 to vector<16xi32>
              %add3A_275 = arith.addi %add3A_274, %iota3A : vector<16xi32>
              %ge3A = arith.cmpf oge, %get3A_263, %get3A_268 : vector<16xf32>
              %le3A = arith.cmpf ole, %get3A_273, %get3A_263 : vector<16xf32>
              %and3A = arith.andi %ge3A, %le3A : vector<16xi1>
              %ge3A_276 = arith.constant 1 : i32
              %ge3A_277 = vector.broadcast %ge3A_276 : i32 to vector<16xi32>
              %ge3A_278 = arith.cmpi sge, %add3A_275, %ge3A_277 : vector<16xi32>
              %and3A_279 = arith.andi %and3A, %ge3A_278 : vector<16xi1>
              %le3A_280 = arith.constant 11999 : i32
              %le3A_281 = vector.broadcast %le3A_280 : i32 to vector<16xi32>
              %le3A_282 = arith.cmpi sle, %add3A_275, %le3A_281 : vector<16xi32>
              %and3A_283 = arith.andi %and3A_279, %le3A_282 : vector<16xi1>
              %jit3A_284 = arith.constant -1.000000e+09 : f32
              %broadcast_in_dim3A_285 = vector.broadcast %jit3A_284 : f32 to vector<16xf32>
              %select_n3A_286 = arith.select %and3A_283, %get3A_263, %broadcast_in_dim3A_285 : vector<16xi1>, vector<16xf32>
              %le3A_287 = arith.constant 12000 : i32
              %le3A_288 = vector.broadcast %le3A_287 : i32 to vector<16xi32>
              %le3A_289 = arith.cmpi sle, %add3A_275, %le3A_288 : vector<16xi32>
              %gt3A_290 = arith.cmpf ogt, %select_n3A_286, %cond3A_226#2 : vector<16xf32>
              %and3A_291 = arith.andi %le3A_289, %gt3A_290 : vector<16xi1>
              %while3A:4 = scf.while (%while3A_292 = %and3A_291, %while3A_293 = %cond3A_226#0, %while3A_294 = %cond3A_226#1, %while3A_295 = %cond3A_226#2) : (vector<16xi1>, vector<16xf32>, vector<16xi32>, vector<16xf32>) -> (vector<16xi1>, vector<16xf32>, vector<16xi32>, vector<16xf32>) {
                %all_reduce_population_count3A_296 = tpu.all_reduce %while3A_292 {dim = 0 : i64, kind = #tpu.reduction_kind<sum>} : vector<16xi1> -> vector<16xi32>
                %slice3A_297 = vector.extract_strided_slice %all_reduce_population_count3A_296 {offsets = [0], sizes = [1], strides = [1]} : vector<16xi32> to vector<1xi32>
                %squeeze3A_298 = vector.extract %slice3A_297[0] : i32 from vector<1xi32>
                %gt3A_299 = arith.constant 0 : i32
                %gt3A_300 = arith.cmpi sgt, %squeeze3A_298, %gt3A_299 : i32
                scf.condition(%gt3A_300) %while3A_292, %while3A_293, %while3A_294, %while3A_295 : vector<16xi1>, vector<16xf32>, vector<16xi32>, vector<16xf32>
              } do {
              ^bb0(%while3A_292: vector<16xi1>, %while3A_293: vector<16xf32>, %while3A_294: vector<16xi32>, %while3A_295: vector<16xf32>):
                %all_reduce_ffs3A = tpu.all_reduce %while3A_292 {dim = 0 : i64, kind = #tpu.reduction_kind<find_first_set>} : vector<16xi1> -> vector<16xi32>
                %reshape3A = vector.shape_cast %all_reduce_ffs3A : vector<16xi32> to vector<16x1xi32>
                %gather3A = vector.shape_cast %reshape3A : vector<16x1xi32> to vector<16xi32>
                %gather3A_296 = tpu.dynamic_gather %select_n3A_286[%gather3A] in [0] : vector<16xf32>, vector<16xi32> -> vector<16xf32>
                %reshape3A_297 = vector.shape_cast %all_reduce_ffs3A : vector<16xi32> to vector<16x1xi32>
                %gather3A_298 = vector.shape_cast %reshape3A_297 : vector<16x1xi32> to vector<16xi32>
                %gather3A_299 = tpu.dynamic_gather %add3A_275[%gather3A_298] in [0] : vector<16xi32>, vector<16xi32> -> vector<16xi32>
                %gt3A_300 = arith.cmpf ogt, %gather3A_296, %while3A_295 : vector<16xf32>
                %xor3A = arith.constant 1 : i32
                %xor3A_301 = vector.broadcast %xor3A : i32 to vector<16xi32>
                %xor3A_302 = arith.xori %iota3A, %xor3A_301 : vector<16xi32>
                %reshape3A_303 = vector.shape_cast %xor3A_302 : vector<16xi32> to vector<16x1xi32>
                %gather3A_304 = vector.shape_cast %reshape3A_303 : vector<16x1xi32> to vector<16xi32>
                %gather3A_305 = tpu.dynamic_gather %while3A_293[%gather3A_304] in [0] : vector<16xf32>, vector<16xi32> -> vector<16xf32>
                %min3A = arith.minimumf %while3A_293, %gather3A_305 : vector<16xf32>
                %xor3A_306 = arith.constant 2 : i32
                %xor3A_307 = vector.broadcast %xor3A_306 : i32 to vector<16xi32>
                %xor3A_308 = arith.xori %iota3A, %xor3A_307 : vector<16xi32>
                %reshape3A_309 = vector.shape_cast %xor3A_308 : vector<16xi32> to vector<16x1xi32>
                %gather3A_310 = vector.shape_cast %reshape3A_309 : vector<16x1xi32> to vector<16xi32>
                %gather3A_311 = tpu.dynamic_gather %min3A[%gather3A_310] in [0] : vector<16xf32>, vector<16xi32> -> vector<16xf32>
                %min3A_312 = arith.minimumf %min3A, %gather3A_311 : vector<16xf32>
                %xor3A_313 = arith.constant 4 : i32
                %xor3A_314 = vector.broadcast %xor3A_313 : i32 to vector<16xi32>
                %xor3A_315 = arith.xori %iota3A, %xor3A_314 : vector<16xi32>
                %reshape3A_316 = vector.shape_cast %xor3A_315 : vector<16xi32> to vector<16x1xi32>
                %gather3A_317 = vector.shape_cast %reshape3A_316 : vector<16x1xi32> to vector<16xi32>
                %gather3A_318 = tpu.dynamic_gather %min3A_312[%gather3A_317] in [0] : vector<16xf32>, vector<16xi32> -> vector<16xf32>
                %min3A_319 = arith.minimumf %min3A_312, %gather3A_318 : vector<16xf32>
                %xor3A_320 = arith.constant 8 : i32
                %xor3A_321 = vector.broadcast %xor3A_320 : i32 to vector<16xi32>
                %xor3A_322 = arith.xori %iota3A, %xor3A_321 : vector<16xi32>
                %reshape3A_323 = vector.shape_cast %xor3A_322 : vector<16xi32> to vector<16x1xi32>
                %gather3A_324 = vector.shape_cast %reshape3A_323 : vector<16x1xi32> to vector<16xi32>
                %gather3A_325 = tpu.dynamic_gather %min3A_319[%gather3A_324] in [0] : vector<16xf32>, vector<16xi32> -> vector<16xf32>
                %min3A_326 = arith.minimumf %min3A_319, %gather3A_325 : vector<16xf32>
                %eq3A_327 = arith.cmpf oeq, %while3A_293, %min3A_326 : vector<16xf32>
                %jit3A_328 = arith.constant -1073741824 : i32
                %broadcast_in_dim3A_329 = vector.broadcast %jit3A_328 : i32 to vector<16xi32>
                %select_n3A_330 = arith.select %eq3A_327, %while3A_294, %broadcast_in_dim3A_329 : vector<16xi1>, vector<16xi32>
                %xor3A_331 = arith.constant 1 : i32
                %xor3A_332 = vector.broadcast %xor3A_331 : i32 to vector<16xi32>
                %xor3A_333 = arith.xori %iota3A, %xor3A_332 : vector<16xi32>
                %reshape3A_334 = vector.shape_cast %xor3A_333 : vector<16xi32> to vector<16x1xi32>
                %gather3A_335 = vector.shape_cast %reshape3A_334 : vector<16x1xi32> to vector<16xi32>
                %gather3A_336 = tpu.dynamic_gather %select_n3A_330[%gather3A_335] in [0] : vector<16xi32>, vector<16xi32> -> vector<16xi32>
                %max3A_337 = arith.maxsi %select_n3A_330, %gather3A_336 : vector<16xi32>
                %xor3A_338 = arith.constant 2 : i32
                %xor3A_339 = vector.broadcast %xor3A_338 : i32 to vector<16xi32>
                %xor3A_340 = arith.xori %iota3A, %xor3A_339 : vector<16xi32>
                %reshape3A_341 = vector.shape_cast %xor3A_340 : vector<16xi32> to vector<16x1xi32>
                %gather3A_342 = vector.shape_cast %reshape3A_341 : vector<16x1xi32> to vector<16xi32>
                %gather3A_343 = tpu.dynamic_gather %max3A_337[%gather3A_342] in [0] : vector<16xi32>, vector<16xi32> -> vector<16xi32>
                %max3A_344 = arith.maxsi %max3A_337, %gather3A_343 : vector<16xi32>
                %xor3A_345 = arith.constant 4 : i32
                %xor3A_346 = vector.broadcast %xor3A_345 : i32 to vector<16xi32>
                %xor3A_347 = arith.xori %iota3A, %xor3A_346 : vector<16xi32>
                %reshape3A_348 = vector.shape_cast %xor3A_347 : vector<16xi32> to vector<16x1xi32>
                %gather3A_349 = vector.shape_cast %reshape3A_348 : vector<16x1xi32> to vector<16xi32>
                %gather3A_350 = tpu.dynamic_gather %max3A_344[%gather3A_349] in [0] : vector<16xi32>, vector<16xi32> -> vector<16xi32>
                %max3A_351 = arith.maxsi %max3A_344, %gather3A_350 : vector<16xi32>
                %xor3A_352 = arith.constant 8 : i32
                %xor3A_353 = vector.broadcast %xor3A_352 : i32 to vector<16xi32>
                %xor3A_354 = arith.xori %iota3A, %xor3A_353 : vector<16xi32>
                %reshape3A_355 = vector.shape_cast %xor3A_354 : vector<16xi32> to vector<16x1xi32>
                %gather3A_356 = vector.shape_cast %reshape3A_355 : vector<16x1xi32> to vector<16xi32>
                %gather3A_357 = tpu.dynamic_gather %max3A_351[%gather3A_356] in [0] : vector<16xi32>, vector<16xi32> -> vector<16xi32>
                %max3A_358 = arith.maxsi %max3A_351, %gather3A_357 : vector<16xi32>
                %eq3A_359 = arith.cmpi eq, %while3A_294, %max3A_358 : vector<16xi32>
                %and3A_360 = arith.andi %eq3A_359, %gt3A_300 : vector<16xi1>
                %select_n3A_361 = arith.select %and3A_360, %gather3A_296, %while3A_293 : vector<16xi1>, vector<16xf32>
                %select_n3A_362 = arith.select %and3A_360, %gather3A_299, %while3A_294 : vector<16xi1>, vector<16xi32>
                %xor3A_363 = arith.constant 1 : i32
                %xor3A_364 = vector.broadcast %xor3A_363 : i32 to vector<16xi32>
                %xor3A_365 = arith.xori %iota3A, %xor3A_364 : vector<16xi32>
                %reshape3A_366 = vector.shape_cast %xor3A_365 : vector<16xi32> to vector<16x1xi32>
                %gather3A_367 = vector.shape_cast %reshape3A_366 : vector<16x1xi32> to vector<16xi32>
                %gather3A_368 = tpu.dynamic_gather %select_n3A_361[%gather3A_367] in [0] : vector<16xf32>, vector<16xi32> -> vector<16xf32>
                %min3A_369 = arith.minimumf %select_n3A_361, %gather3A_368 : vector<16xf32>
                %xor3A_370 = arith.constant 2 : i32
                %xor3A_371 = vector.broadcast %xor3A_370 : i32 to vector<16xi32>
                %xor3A_372 = arith.xori %iota3A, %xor3A_371 : vector<16xi32>
                %reshape3A_373 = vector.shape_cast %xor3A_372 : vector<16xi32> to vector<16x1xi32>
                %gather3A_374 = vector.shape_cast %reshape3A_373 : vector<16x1xi32> to vector<16xi32>
                %gather3A_375 = tpu.dynamic_gather %min3A_369[%gather3A_374] in [0] : vector<16xf32>, vector<16xi32> -> vector<16xf32>
                %min3A_376 = arith.minimumf %min3A_369, %gather3A_375 : vector<16xf32>
                %xor3A_377 = arith.constant 4 : i32
                %xor3A_378 = vector.broadcast %xor3A_377 : i32 to vector<16xi32>
                %xor3A_379 = arith.xori %iota3A, %xor3A_378 : vector<16xi32>
                %reshape3A_380 = vector.shape_cast %xor3A_379 : vector<16xi32> to vector<16x1xi32>
                %gather3A_381 = vector.shape_cast %reshape3A_380 : vector<16x1xi32> to vector<16xi32>
                %gather3A_382 = tpu.dynamic_gather %min3A_376[%gather3A_381] in [0] : vector<16xf32>, vector<16xi32> -> vector<16xf32>
                %min3A_383 = arith.minimumf %min3A_376, %gather3A_382 : vector<16xf32>
                %xor3A_384 = arith.constant 8 : i32
                %xor3A_385 = vector.broadcast %xor3A_384 : i32 to vector<16xi32>
                %xor3A_386 = arith.xori %iota3A, %xor3A_385 : vector<16xi32>
                %reshape3A_387 = vector.shape_cast %xor3A_386 : vector<16xi32> to vector<16x1xi32>
                %gather3A_388 = vector.shape_cast %reshape3A_387 : vector<16x1xi32> to vector<16xi32>
                %gather3A_389 = tpu.dynamic_gather %min3A_383[%gather3A_388] in [0] : vector<16xf32>, vector<16xi32> -> vector<16xf32>
                %min3A_390 = arith.minimumf %min3A_383, %gather3A_389 : vector<16xf32>
                %select_n3A_391 = arith.select %gt3A_300, %min3A_390, %while3A_295 : vector<16xi1>, vector<16xf32>
                %ne3A = arith.cmpi ne, %iota3A, %all_reduce_ffs3A : vector<16xi32>
                %and3A_392 = arith.andi %while3A_292, %ne3A : vector<16xi1>
                %gt3A_393 = arith.cmpf ogt, %select_n3A_286, %select_n3A_391 : vector<16xf32>
                %and3A_394 = arith.andi %and3A_392, %gt3A_393 : vector<16xi1>
                scf.yield %and3A_394, %select_n3A_361, %select_n3A_362, %select_n3A_391 : vector<16xi1>, vector<16xf32>, vector<16xi32>, vector<16xf32>
              }
              scf.yield %while3A#1, %while3A#2, %while3A#3 : vector<16xf32>, vector<16xi32>, vector<16xf32>
            } else {
              scf.yield %cond3A_226#0, %cond3A_226#1, %cond3A_226#2 : vector<16xf32>, vector<16xi32>, vector<16xf32>
            }
            %add3A_242 = arith.constant 112 : i32
            %add3A_243 = arith.addi %mul3A_83, %add3A_242 : i32
            %get3A_244 = arith.index_cast %scan3A_31 : i32 to index
            %get3A_245 = arith.index_cast %add3A_243 : i32 to index
            %get3A_246 = tpu.vector_load %arg5[%get3A_244, %get3A_245] {strides = array<i32>} : memref<8x12001xf32, #tpu.memory_space<vmem>>, vector<16xf32>,
            %gt3A_247 = arith.cmpf ogt, %get3A_246, %cond3A_241#2 : vector<16xf32>
            %all_reduce_population_count3A_248 = tpu.all_reduce %gt3A_247 {dim = 0 : i64, kind = #tpu.reduction_kind<sum>} : vector<16xi1> -> vector<16xi32>
            %slice3A_249 = vector.extract_strided_slice %all_reduce_population_count3A_248 {offsets = [0], sizes = [1], strides = [1]} : vector<16xi32> to vector<1xi32>
            %squeeze3A_250 = vector.extract %slice3A_249[0] : i32 from vector<1xi32>
            %gt3A_251 = arith.constant 0 : i32
            %gt3A_252 = arith.cmpi sgt, %squeeze3A_250, %gt3A_251 : i32
            %convert_element_type3A_253 = arith.extui %gt3A_252 : i1 to i32
            %cond3A_254 = arith.constant 0 : i32
            %cond3A_255 = arith.cmpi ne, %convert_element_type3A_253, %cond3A_254 : i32
            %cond3A_256:3 = scf.if %cond3A_255 -> (vector<16xf32>, vector<16xi32>, vector<16xf32>) {
              %mul3A_257 = arith.constant 128 : i32
              %mul3A_258 = arith.muli %mul3A_257, %scan3A_78 : i32
              %add3A_259 = arith.constant 112 : i32
              %add3A_260 = arith.addi %mul3A_258, %add3A_259 : i32
              %get3A_261 = arith.index_cast %scan3A_31 : i32 to index
              %get3A_262 = arith.index_cast %add3A_260 : i32 to index
              %get3A_263 = tpu.vector_load %arg5[%get3A_261, %get3A_262] {strides = array<i32>} : memref<8x12001xf32, #tpu.memory_space<vmem>>, vector<16xf32>,
              %sub3A_264 = arith.constant 1 : i32
              %sub3A_265 = arith.subi %add3A_260, %sub3A_264 : i32
              %get3A_266 = arith.index_cast %scan3A_31 : i32 to index
              %get3A_267 = arith.index_cast %sub3A_265 : i32 to index
              %get3A_268 = tpu.vector_load %arg5[%get3A_266, %get3A_267] {strides = array<i32>} : memref<8x12001xf32, #tpu.memory_space<vmem>>, vector<16xf32>,
              %add3A_269 = arith.constant 1 : i32
              %add3A_270 = arith.addi %scan3A_78, %add3A_269 : i32
              %mul3A_271 = arith.constant 128 : i32
              %mul3A_272 = arith.muli %mul3A_271, %add3A_270 : i32
              %min3A = arith.constant 12016 : i32
              %min3A_273 = arith.minsi %mul3A_272, %min3A : i32
              %get3A_274 = arith.index_cast %scan3A_31 : i32 to index
              %get3A_275 = arith.index_cast %min3A_273 : i32 to index
              %get3A_276 = tpu.vector_load %arg5[%get3A_274, %get3A_275] {strides = array<i32>} : memref<8x12001xf32, #tpu.memory_space<vmem>>, vector<16xf32>,
              %lt3A_277 = arith.constant 93 : i32
              %lt3A_278 = arith.cmpi slt, %scan3A_78, %lt3A_277 : i32
              %slice3A_279 = vector.extract_strided_slice %get3A_276 {offsets = [0], sizes = [1], strides = [1]} : vector<16xf32> to vector<1xf32>
              %squeeze3A_280 = vector.extract %slice3A_279[0] : f32 from vector<1xf32>
              %jit3A_281 = arith.constant -3.000000e+38 : f32
              %select_n3A_282 = arith.select %lt3A_278, %squeeze3A_280, %jit3A_281 : f32
              %eq3A_283 = arith.constant 15 : i32
              %eq3A_284 = vector.broadcast %eq3A_283 : i32 to vector<16xi32>
              %eq3A_285 = arith.cmpi eq, %iota3A, %eq3A_284 : vector<16xi32>
              %add3A_286 = arith.constant 1 : i32
              %add3A_287 = vector.broadcast %add3A_286 : i32 to vector<16xi32>
              %add3A_288 = arith.addi %iota3A, %add3A_287 : vector<16xi32>
              %min3A_289 = arith.constant 15 : i32
              %min3A_290 = vector.broadcast %min3A_289 : i32 to vector<16xi32>
              %min3A_291 = arith.minsi %add3A_288, %min3A_290 : vector<16xi32>
              %reshape3A = vector.shape_cast %min3A_291 : vector<16xi32> to vector<16x1xi32>
              %gather3A = vector.shape_cast %reshape3A : vector<16x1xi32> to vector<16xi32>
              %gather3A_292 = tpu.dynamic_gather %get3A_263[%gather3A] in [0] : vector<16xf32>, vector<16xi32> -> vector<16xf32>
              %broadcast_in_dim3A_293 = vector.broadcast %select_n3A_282 : f32 to vector<16xf32>
              %select_n3A_294 = arith.select %eq3A_285, %broadcast_in_dim3A_293, %gather3A_292 : vector<16xi1>, vector<16xf32>
              %add3A_295 = vector.broadcast %add3A_260 : i32 to vector<16xi32>
              %add3A_296 = arith.addi %add3A_295, %iota3A : vector<16xi32>
              %ge3A = arith.cmpf oge, %get3A_263, %get3A_268 : vector<16xf32>
              %le3A = arith.cmpf ole, %select_n3A_294, %get3A_263 : vector<16xf32>
              %and3A = arith.andi %ge3A, %le3A : vector<16xi1>
              %ge3A_297 = arith.constant 1 : i32
              %ge3A_298 = vector.broadcast %ge3A_297 : i32 to vector<16xi32>
              %ge3A_299 = arith.cmpi sge, %add3A_296, %ge3A_298 : vector<16xi32>
              %and3A_300 = arith.andi %and3A, %ge3A_299 : vector<16xi1>
              %le3A_301 = arith.constant 11999 : i32
              %le3A_302 = vector.broadcast %le3A_301 : i32 to vector<16xi32>
              %le3A_303 = arith.cmpi sle, %add3A_296, %le3A_302 : vector<16xi32>
              %and3A_304 = arith.andi %and3A_300, %le3A_303 : vector<16xi1>
              %jit3A_305 = arith.constant -1.000000e+09 : f32
              %broadcast_in_dim3A_306 = vector.broadcast %jit3A_305 : f32 to vector<16xf32>
              %select_n3A_307 = arith.select %and3A_304, %get3A_263, %broadcast_in_dim3A_306 : vector<16xi1>, vector<16xf32>
              %le3A_308 = arith.constant 12000 : i32
              %le3A_309 = vector.broadcast %le3A_308 : i32 to vector<16xi32>
              %le3A_310 = arith.cmpi sle, %add3A_296, %le3A_309 : vector<16xi32>
              %gt3A_311 = arith.cmpf ogt, %select_n3A_307, %cond3A_241#2 : vector<16xf32>
              %and3A_312 = arith.andi %le3A_310, %gt3A_311 : vector<16xi1>
              %while3A:4 = scf.while (%while3A_313 = %and3A_312, %while3A_314 = %cond3A_241#0, %while3A_315 = %cond3A_241#1, %while3A_316 = %cond3A_241#2) : (vector<16xi1>, vector<16xf32>, vector<16xi32>, vector<16xf32>) -> (vector<16xi1>, vector<16xf32>, vector<16xi32>, vector<16xf32>) {
                %all_reduce_population_count3A_317 = tpu.all_reduce %while3A_313 {dim = 0 : i64, kind = #tpu.reduction_kind<sum>} : vector<16xi1> -> vector<16xi32>
                %slice3A_318 = vector.extract_strided_slice %all_reduce_population_count3A_317 {offsets = [0], sizes = [1], strides = [1]} : vector<16xi32> to vector<1xi32>
                %squeeze3A_319 = vector.extract %slice3A_318[0] : i32 from vector<1xi32>
                %gt3A_320 = arith.constant 0 : i32
                %gt3A_321 = arith.cmpi sgt, %squeeze3A_319, %gt3A_320 : i32
                scf.condition(%gt3A_321) %while3A_313, %while3A_314, %while3A_315, %while3A_316 : vector<16xi1>, vector<16xf32>, vector<16xi32>, vector<16xf32>
              } do {
              ^bb0(%while3A_313: vector<16xi1>, %while3A_314: vector<16xf32>, %while3A_315: vector<16xi32>, %while3A_316: vector<16xf32>):
                %all_reduce_ffs3A = tpu.all_reduce %while3A_313 {dim = 0 : i64, kind = #tpu.reduction_kind<find_first_set>} : vector<16xi1> -> vector<16xi32>
                %reshape3A_317 = vector.shape_cast %all_reduce_ffs3A : vector<16xi32> to vector<16x1xi32>
                %gather3A_318 = vector.shape_cast %reshape3A_317 : vector<16x1xi32> to vector<16xi32>
                %gather3A_319 = tpu.dynamic_gather %select_n3A_307[%gather3A_318] in [0] : vector<16xf32>, vector<16xi32> -> vector<16xf32>
                %reshape3A_320 = vector.shape_cast %all_reduce_ffs3A : vector<16xi32> to vector<16x1xi32>
                %gather3A_321 = vector.shape_cast %reshape3A_320 : vector<16x1xi32> to vector<16xi32>
                %gather3A_322 = tpu.dynamic_gather %add3A_296[%gather3A_321] in [0] : vector<16xi32>, vector<16xi32> -> vector<16xi32>
                %gt3A_323 = arith.cmpf ogt, %gather3A_319, %while3A_316 : vector<16xf32>
                %xor3A = arith.constant 1 : i32
                %xor3A_324 = vector.broadcast %xor3A : i32 to vector<16xi32>
                %xor3A_325 = arith.xori %iota3A, %xor3A_324 : vector<16xi32>
                %reshape3A_326 = vector.shape_cast %xor3A_325 : vector<16xi32> to vector<16x1xi32>
                %gather3A_327 = vector.shape_cast %reshape3A_326 : vector<16x1xi32> to vector<16xi32>
                %gather3A_328 = tpu.dynamic_gather %while3A_314[%gather3A_327] in [0] : vector<16xf32>, vector<16xi32> -> vector<16xf32>
                %min3A_329 = arith.minimumf %while3A_314, %gather3A_328 : vector<16xf32>
                %xor3A_330 = arith.constant 2 : i32
                %xor3A_331 = vector.broadcast %xor3A_330 : i32 to vector<16xi32>
                %xor3A_332 = arith.xori %iota3A, %xor3A_331 : vector<16xi32>
                %reshape3A_333 = vector.shape_cast %xor3A_332 : vector<16xi32> to vector<16x1xi32>
                %gather3A_334 = vector.shape_cast %reshape3A_333 : vector<16x1xi32> to vector<16xi32>
                %gather3A_335 = tpu.dynamic_gather %min3A_329[%gather3A_334] in [0] : vector<16xf32>, vector<16xi32> -> vector<16xf32>
                %min3A_336 = arith.minimumf %min3A_329, %gather3A_335 : vector<16xf32>
                %xor3A_337 = arith.constant 4 : i32
                %xor3A_338 = vector.broadcast %xor3A_337 : i32 to vector<16xi32>
                %xor3A_339 = arith.xori %iota3A, %xor3A_338 : vector<16xi32>
                %reshape3A_340 = vector.shape_cast %xor3A_339 : vector<16xi32> to vector<16x1xi32>
                %gather3A_341 = vector.shape_cast %reshape3A_340 : vector<16x1xi32> to vector<16xi32>
                %gather3A_342 = tpu.dynamic_gather %min3A_336[%gather3A_341] in [0] : vector<16xf32>, vector<16xi32> -> vector<16xf32>
                %min3A_343 = arith.minimumf %min3A_336, %gather3A_342 : vector<16xf32>
                %xor3A_344 = arith.constant 8 : i32
                %xor3A_345 = vector.broadcast %xor3A_344 : i32 to vector<16xi32>
                %xor3A_346 = arith.xori %iota3A, %xor3A_345 : vector<16xi32>
                %reshape3A_347 = vector.shape_cast %xor3A_346 : vector<16xi32> to vector<16x1xi32>
                %gather3A_348 = vector.shape_cast %reshape3A_347 : vector<16x1xi32> to vector<16xi32>
                %gather3A_349 = tpu.dynamic_gather %min3A_343[%gather3A_348] in [0] : vector<16xf32>, vector<16xi32> -> vector<16xf32>
                %min3A_350 = arith.minimumf %min3A_343, %gather3A_349 : vector<16xf32>
                %eq3A_351 = arith.cmpf oeq, %while3A_314, %min3A_350 : vector<16xf32>
                %jit3A_352 = arith.constant -1073741824 : i32
                %broadcast_in_dim3A_353 = vector.broadcast %jit3A_352 : i32 to vector<16xi32>
                %select_n3A_354 = arith.select %eq3A_351, %while3A_315, %broadcast_in_dim3A_353 : vector<16xi1>, vector<16xi32>
                %xor3A_355 = arith.constant 1 : i32
                %xor3A_356 = vector.broadcast %xor3A_355 : i32 to vector<16xi32>
                %xor3A_357 = arith.xori %iota3A, %xor3A_356 : vector<16xi32>
                %reshape3A_358 = vector.shape_cast %xor3A_357 : vector<16xi32> to vector<16x1xi32>
                %gather3A_359 = vector.shape_cast %reshape3A_358 : vector<16x1xi32> to vector<16xi32>
                %gather3A_360 = tpu.dynamic_gather %select_n3A_354[%gather3A_359] in [0] : vector<16xi32>, vector<16xi32> -> vector<16xi32>
                %max3A_361 = arith.maxsi %select_n3A_354, %gather3A_360 : vector<16xi32>
                %xor3A_362 = arith.constant 2 : i32
                %xor3A_363 = vector.broadcast %xor3A_362 : i32 to vector<16xi32>
                %xor3A_364 = arith.xori %iota3A, %xor3A_363 : vector<16xi32>
                %reshape3A_365 = vector.shape_cast %xor3A_364 : vector<16xi32> to vector<16x1xi32>
                %gather3A_366 = vector.shape_cast %reshape3A_365 : vector<16x1xi32> to vector<16xi32>
                %gather3A_367 = tpu.dynamic_gather %max3A_361[%gather3A_366] in [0] : vector<16xi32>, vector<16xi32> -> vector<16xi32>
                %max3A_368 = arith.maxsi %max3A_361, %gather3A_367 : vector<16xi32>
                %xor3A_369 = arith.constant 4 : i32
                %xor3A_370 = vector.broadcast %xor3A_369 : i32 to vector<16xi32>
                %xor3A_371 = arith.xori %iota3A, %xor3A_370 : vector<16xi32>
                %reshape3A_372 = vector.shape_cast %xor3A_371 : vector<16xi32> to vector<16x1xi32>
                %gather3A_373 = vector.shape_cast %reshape3A_372 : vector<16x1xi32> to vector<16xi32>
                %gather3A_374 = tpu.dynamic_gather %max3A_368[%gather3A_373] in [0] : vector<16xi32>, vector<16xi32> -> vector<16xi32>
                %max3A_375 = arith.maxsi %max3A_368, %gather3A_374 : vector<16xi32>
                %xor3A_376 = arith.constant 8 : i32
                %xor3A_377 = vector.broadcast %xor3A_376 : i32 to vector<16xi32>
                %xor3A_378 = arith.xori %iota3A, %xor3A_377 : vector<16xi32>
                %reshape3A_379 = vector.shape_cast %xor3A_378 : vector<16xi32> to vector<16x1xi32>
                %gather3A_380 = vector.shape_cast %reshape3A_379 : vector<16x1xi32> to vector<16xi32>
                %gather3A_381 = tpu.dynamic_gather %max3A_375[%gather3A_380] in [0] : vector<16xi32>, vector<16xi32> -> vector<16xi32>
                %max3A_382 = arith.maxsi %max3A_375, %gather3A_381 : vector<16xi32>
                %eq3A_383 = arith.cmpi eq, %while3A_315, %max3A_382 : vector<16xi32>
                %and3A_384 = arith.andi %eq3A_383, %gt3A_323 : vector<16xi1>
                %select_n3A_385 = arith.select %and3A_384, %gather3A_319, %while3A_314 : vector<16xi1>, vector<16xf32>
                %select_n3A_386 = arith.select %and3A_384, %gather3A_322, %while3A_315 : vector<16xi1>, vector<16xi32>
                %xor3A_387 = arith.constant 1 : i32
                %xor3A_388 = vector.broadcast %xor3A_387 : i32 to vector<16xi32>
                %xor3A_389 = arith.xori %iota3A, %xor3A_388 : vector<16xi32>
                %reshape3A_390 = vector.shape_cast %xor3A_389 : vector<16xi32> to vector<16x1xi32>
                %gather3A_391 = vector.shape_cast %reshape3A_390 : vector<16x1xi32> to vector<16xi32>
                %gather3A_392 = tpu.dynamic_gather %select_n3A_385[%gather3A_391] in [0] : vector<16xf32>, vector<16xi32> -> vector<16xf32>
                %min3A_393 = arith.minimumf %select_n3A_385, %gather3A_392 : vector<16xf32>
                %xor3A_394 = arith.constant 2 : i32
                %xor3A_395 = vector.broadcast %xor3A_394 : i32 to vector<16xi32>
                %xor3A_396 = arith.xori %iota3A, %xor3A_395 : vector<16xi32>
                %reshape3A_397 = vector.shape_cast %xor3A_396 : vector<16xi32> to vector<16x1xi32>
                %gather3A_398 = vector.shape_cast %reshape3A_397 : vector<16x1xi32> to vector<16xi32>
                %gather3A_399 = tpu.dynamic_gather %min3A_393[%gather3A_398] in [0] : vector<16xf32>, vector<16xi32> -> vector<16xf32>
                %min3A_400 = arith.minimumf %min3A_393, %gather3A_399 : vector<16xf32>
                %xor3A_401 = arith.constant 4 : i32
                %xor3A_402 = vector.broadcast %xor3A_401 : i32 to vector<16xi32>
                %xor3A_403 = arith.xori %iota3A, %xor3A_402 : vector<16xi32>
                %reshape3A_404 = vector.shape_cast %xor3A_403 : vector<16xi32> to vector<16x1xi32>
                %gather3A_405 = vector.shape_cast %reshape3A_404 : vector<16x1xi32> to vector<16xi32>
                %gather3A_406 = tpu.dynamic_gather %min3A_400[%gather3A_405] in [0] : vector<16xf32>, vector<16xi32> -> vector<16xf32>
                %min3A_407 = arith.minimumf %min3A_400, %gather3A_406 : vector<16xf32>
                %xor3A_408 = arith.constant 8 : i32
                %xor3A_409 = vector.broadcast %xor3A_408 : i32 to vector<16xi32>
                %xor3A_410 = arith.xori %iota3A, %xor3A_409 : vector<16xi32>
                %reshape3A_411 = vector.shape_cast %xor3A_410 : vector<16xi32> to vector<16x1xi32>
                %gather3A_412 = vector.shape_cast %reshape3A_411 : vector<16x1xi32> to vector<16xi32>
                %gather3A_413 = tpu.dynamic_gather %min3A_407[%gather3A_412] in [0] : vector<16xf32>, vector<16xi32> -> vector<16xf32>
                %min3A_414 = arith.minimumf %min3A_407, %gather3A_413 : vector<16xf32>
                %select_n3A_415 = arith.select %gt3A_323, %min3A_414, %while3A_316 : vector<16xi1>, vector<16xf32>
                %ne3A = arith.cmpi ne, %iota3A, %all_reduce_ffs3A : vector<16xi32>
                %and3A_416 = arith.andi %while3A_313, %ne3A : vector<16xi1>
                %gt3A_417 = arith.cmpf ogt, %select_n3A_307, %select_n3A_415 : vector<16xf32>
                %and3A_418 = arith.andi %and3A_416, %gt3A_417 : vector<16xi1>
                scf.yield %and3A_418, %select_n3A_385, %select_n3A_386, %select_n3A_415 : vector<16xi1>, vector<16xf32>, vector<16xi32>, vector<16xf32>
              }
              scf.yield %while3A#1, %while3A#2, %while3A#3 : vector<16xf32>, vector<16xi32>, vector<16xf32>
            } else {
              scf.yield %cond3A_241#0, %cond3A_241#1, %cond3A_241#2 : vector<16xf32>, vector<16xi32>, vector<16xf32>
            }
            scf.yield %cond3A_256#0, %cond3A_256#1, %cond3A_256#2 : vector<16xf32>, vector<16xi32>, vector<16xf32>
          } else {
            scf.yield %scan3A_79, %scan3A_80, %scan3A_81 : vector<16xf32>, vector<16xi32>, vector<16xf32>
          }
          scf.yield %cond3A_136#0, %cond3A_136#1, %cond3A_136#2 : vector<16xf32>, vector<16xi32>, vector<16xf32>
        }
        %scan3A_46 = arith.constant 94 : i32
        %masked_sort3A = arith.constant dense<true> : vector<16xi1>
        %masked_sort3A_47 = arith.constant -2147483648 : i32
        %masked_sort3A_48 = vector.broadcast %masked_sort3A_47 : i32 to vector<16xi32>
        %masked_sort3A_49 = arith.xori %scan3A_45#1, %masked_sort3A_48 : vector<16xi32>
        %masked_sort3A_50, %masked_sort3A_51, %masked_sort3A_52 = tpu.sort %masked_sort3A_49, %scan3A_45#0 masked %masked_sort3A : (vector<16xi32>, vector<16xf32>, vector<16xi1>) -> (vector<16xi1>, vector<16xi32>, vector<16xf32>)
        %masked_sort3A_53 = arith.xori %masked_sort3A_51, %masked_sort3A_48 : vector<16xi32>
        %convert_element_type3A = arith.sitofp %masked_sort3A_53 : vector<16xi32> to vector<16xf32>
        %mul3A_54 = arith.constant 0.00999999977 : f32
        %mul3A_55 = vector.broadcast %mul3A_54 : f32 to vector<16xf32>
        %mul3A_56 = arith.mulf %mul3A_55, %convert_element_type3A : vector<16xf32>
        %add3A_57 = arith.constant -6.000000e+01 : f32
        %add3A_58 = vector.broadcast %add3A_57 : f32 to vector<16xf32>
        %add3A_59 = arith.addf %add3A_58, %mul3A_56 : vector<16xf32>
        %slice3A = vector.extract_strided_slice %masked_sort3A_52 {offsets = [7], sizes = [1], strides = [1]} : vector<16xf32> to vector<1xf32>
        %squeeze3A = vector.extract %slice3A[0] : f32 from vector<1xf32>
        %gt3A = arith.constant 0.000000e+00 : f32
        %gt3A_60 = arith.cmpf ogt, %squeeze3A, %gt3A : f32
        %jit3A_61 = arith.constant 1.000000e+00 : f32
        %jit3A_62 = arith.constant 0.000000e+00 : f32
        %select_n3A_63 = arith.select %gt3A_60, %jit3A_61, %jit3A_62 : f32
        %mul3A_64 = arith.constant 8 : i32
        %mul3A_65 = arith.muli %scan3A_14, %mul3A_64 : i32
        %add3A_66 = arith.addi %mul3A_65, %scan3A_31 : i32
        %mul3A_67 = arith.constant 8 : i32
        %mul3A_68 = arith.muli %add3A_66, %mul3A_67 : i32
        %swap3A = arith.index_cast %mul3A_68 : i32 to index
        %swap3A_69 = tpu.vector_load %arg6[%swap3A] {strides = array<i32>} : memref<1040xf32, #tpu.memory_space<vmem>>, vector<16xf32>,
        tpu.vector_store %arg6[%swap3A], %add3A_59 {strides = array<i32>} : memref<1040xf32, #tpu.memory_space<vmem>>, vector<16xf32>,
        %eq3A = arith.constant 0 : i32
        %eq3A_70 = vector.broadcast %eq3A : i32 to vector<16xi32>
        %eq3A_71 = arith.cmpi eq, %iota3A, %eq3A_70 : vector<16xi32>
        %jit3A_72 = arith.constant 0.000000e+00 : f32
        %broadcast_in_dim3A_73 = vector.broadcast %select_n3A_63 : f32 to vector<16xf32>
        %broadcast_in_dim3A_74 = vector.broadcast %jit3A_72 : f32 to vector<16xf32>
        %select_n3A_75 = arith.select %eq3A_71, %broadcast_in_dim3A_73, %broadcast_in_dim3A_74 : vector<16xi1>, vector<16xf32>
        %swap3A_76 = arith.index_cast %add3A_66 : i32 to index
        %swap3A_77 = tpu.vector_load %arg7[%swap3A_76] {strides = array<i32>} : memref<144xf32, #tpu.memory_space<vmem>>, vector<16xf32>,
        tpu.vector_store %arg7[%swap3A_76], %select_n3A_75 {strides = array<i32>} : memref<144xf32, #tpu.memory_space<vmem>>, vector<16xf32>,
      }
      %scan3A_30 = arith.constant 8 : i32
    }
    %scan3A_7 = arith.constant 16 : i32
    %mul3A_8 = arith.constant 128 : i32
    %mul3A_9 = arith.muli %add3A, %mul3A_8 : i32
    %mul3A_10 = arith.constant 8 : i32
    %mul3A_11 = arith.muli %mul3A_9, %mul3A_10 : i32
    "tpu.region"() ({
      %run_scoped3A = tpu.sem_alloc : memref<!tpu.dma_semaphore, #tpu.memory_space<semaphore_mem>>
      %dma_start3A = arith.constant 0 : i32
      %dma_start3A_14 = tpu.memref_slice %arg6[%dma_start3A] : memref<1040xf32, #tpu.memory_space<vmem>> -> memref<1024xf32, #tpu.memory_space<vmem>>
      %dma_start3A_15 = tpu.memref_slice %arg3[%mul3A_11] : memref<32768xf32, #tpu.memory_space<hbm>> -> memref<1024xf32, #tpu.memory_space<hbm>>
      %dma_start3A_16 = tpu.memref_slice %arg3[%mul3A_11] : memref<32768xf32, #tpu.memory_space<hbm>> -> memref<1024xf32, #tpu.memory_space<hbm>>
      %dma_start3A_17 = arith.constant 0 : i32
      %dma_start3A_18 = tpu.memref_slice %arg6[%dma_start3A_17] : memref<1040xf32, #tpu.memory_space<vmem>> -> memref<1024xf32, #tpu.memory_space<vmem>>
      tpu.enqueue_dma source(%dma_start3A_18 : memref<1024xf32, #tpu.memory_space<vmem>>) target(%dma_start3A_16 : memref<1024xf32, #tpu.memory_space<hbm>>) target_semaphore(%run_scoped3A : memref<!tpu.dma_semaphore, #tpu.memory_space<semaphore_mem>>)
      %dma_wait3A = arith.constant 0 : i32
      %dma_wait3A_19 = tpu.memref_slice %arg6[%dma_wait3A] : memref<1040xf32, #tpu.memory_space<vmem>> -> memref<1024xf32, #tpu.memory_space<vmem>>
      %dma_wait3A_20 = tpu.memref_slice %arg3[%mul3A_11] : memref<32768xf32, #tpu.memory_space<hbm>> -> memref<1024xf32, #tpu.memory_space<hbm>>
      %dma_wait3A_21 = tpu.memref_slice %arg3[%mul3A_11] : memref<32768xf32, #tpu.memory_space<hbm>> -> memref<1024xf32, #tpu.memory_space<hbm>>
      %dma_wait3A_22 = arith.constant 0 : i32
      %dma_wait3A_23 = tpu.memref_slice %arg6[%dma_wait3A_22] : memref<1040xf32, #tpu.memory_space<vmem>> -> memref<1024xf32, #tpu.memory_space<vmem>>
      tpu.wait_dma2 semaphore(%run_scoped3A : memref<!tpu.dma_semaphore, #tpu.memory_space<semaphore_mem>>) src(%dma_wait3A_23 : memref<1024xf32, #tpu.memory_space<vmem>>) dst(%dma_wait3A_21 : memref<1024xf32, #tpu.memory_space<hbm>>)
      tpu.yield
    }) : () -> ()
    %mul3A_12 = arith.constant 128 : i32
    %mul3A_13 = arith.muli %add3A, %mul3A_12 : i32
    "tpu.region"() ({
      %run_scoped3A = tpu.sem_alloc : memref<!tpu.dma_semaphore, #tpu.memory_space<semaphore_mem>>
      %dma_start3A = arith.constant 0 : i32
      %dma_start3A_14 = tpu.memref_slice %arg7[%dma_start3A] : memref<144xf32, #tpu.memory_space<vmem>> -> memref<128xf32, #tpu.memory_space<vmem>>
      %dma_start3A_15 = tpu.memref_slice %arg4[%mul3A_13] : memref<4096xf32, #tpu.memory_space<hbm>> -> memref<128xf32, #tpu.memory_space<hbm>>
      %dma_start3A_16 = tpu.memref_slice %arg4[%mul3A_13] : memref<4096xf32, #tpu.memory_space<hbm>> -> memref<128xf32, #tpu.memory_space<hbm>>
      %dma_start3A_17 = arith.constant 0 : i32
      %dma_start3A_18 = tpu.memref_slice %arg7[%dma_start3A_17] : memref<144xf32, #tpu.memory_space<vmem>> -> memref<128xf32, #tpu.memory_space<vmem>>
      tpu.enqueue_dma source(%dma_start3A_18 : memref<128xf32, #tpu.memory_space<vmem>>) target(%dma_start3A_16 : memref<128xf32, #tpu.memory_space<hbm>>) target_semaphore(%run_scoped3A : memref<!tpu.dma_semaphore, #tpu.memory_space<semaphore_mem>>)
      %dma_wait3A = arith.constant 0 : i32
      %dma_wait3A_19 = tpu.memref_slice %arg7[%dma_wait3A] : memref<144xf32, #tpu.memory_space<vmem>> -> memref<128xf32, #tpu.memory_space<vmem>>
      %dma_wait3A_20 = tpu.memref_slice %arg4[%mul3A_13] : memref<4096xf32, #tpu.memory_space<hbm>> -> memref<128xf32, #tpu.memory_space<hbm>>
      %dma_wait3A_21 = tpu.memref_slice %arg4[%mul3A_13] : memref<4096xf32, #tpu.memory_space<hbm>> -> memref<128xf32, #tpu.memory_space<hbm>>
      %dma_wait3A_22 = arith.constant 0 : i32
      %dma_wait3A_23 = tpu.memref_slice %arg7[%dma_wait3A_22] : memref<144xf32, #tpu.memory_space<vmem>> -> memref<128xf32, #tpu.memory_space<vmem>>
      tpu.wait_dma2 semaphore(%run_scoped3A : memref<!tpu.dma_semaphore, #tpu.memory_space<semaphore_mem>>) src(%dma_wait3A_23 : memref<128xf32, #tpu.memory_space<vmem>>) dst(%dma_wait3A_21 : memref<128xf32, #tpu.memory_space<hbm>>)
      tpu.yield
    }) : () -> ()
    return
  }
}

</mosaic_0001>

<sc_bundles>
// kernel: _run.3.cloned.1.call-start
scs
__scs_entry_jumppad:
0x0: {  	(pc) =	sbr.rel $0x88, $3  }
0x1: {  	(tag) =	ssettag $0x0;
	lr =	simm.s32 $0x1  }
0x2: {  	[smem:$0x3FA0] =	sst lr;
	_ =	strace $0xD0000000  }
0x3: {  	_ = 	snop  }
0x4: {  	_ = 	snop  }
0x5: {  	_ = 	snop  }
0x6: {  	_ = 	snop  }
0x7: {  	_ = 	snop  }
__scs_overlays_trampoline_lowered:
0x8: {  	[smem:$0x3FAF] =	sst s0  }
0x9: {  	[smem:$0x3FB0] =	sst s1  }
0xa: {  	[smem:$0x3FB1] =	sst s2  }
0xb: {  	[smem:$0x3FB2] =	sst s3  }
0xc: {  	[smem:$0x3FB3] =	sst s4  }
0xd: {  	[smem:$0x3FB4] =	sst s5  }
0xe: {  	[smem:$0x3FB5] =	sst s6  }
0xf: {  	[smem:$0x3FB6] =	sst s7  }
0x10: {  	[smem:$0x3FB7] =	sst s8  }
0x11: {  	[smem:$0x3FB8] =	sst s9;
	s0 =	simm.s32 @!p0 $0x0  }
0x12: {  	s1 =	sld [smem:$0x3F9E];
	s0 =	simm.s32 @p0 $0x1  }
0x13: {  	[smem:$0x3FB9] =	sst s0;
	s0 =	simm.s32 @!p1 $0x0  }
0x14: {  	s2 =	sld [smem:$0x3F9D];
	s0 =	simm.s32 @p1 $0x1  }
0x15: {  	[smem:$0x3FBA] =	sst s0;
	s0 =	simm.s32 @!p2 $0x0  }
0x16: {  	s3 =	sld [smem:$0x3FDB];
	s0 =	simm.s32 @p2 $0x1  }
0x17: {  	s4 =	simm.s32 $0x1BF5;
	[smem:$0x3FBC] =	sst s0  }
0x18: {  	s0 =	sld [smem:$0x3F9F];
	_ =	swait.ge [sflag:s4], $0x0  }
0x19: {  	s7 =	sld [smem:$0x3FA0]  }
0x1a: {  	s8 =	sadd.s32 $0xFFFFE003, lr  }
0x1b: {  	s9 =	sadd.s32 $0xFFFFFEF7, lr;
	s5 =	simm.s32 $0xFFFFFFFF;
	p2 =	slt.u32 s8, $0xFFFFF086  }
0x1c: {  	p1 =	slt.u32 s9, $0xF7A;
	s5 =	simm.s32 @!p2 $0x0  }
0x1d: {  	s5 =	simm.s32 @p1 $0x1;
	p0 =	seq.s32 s7, s2  }
0x1e: {  	s7 =	smul.u32 @!p0 $0xF7A, s2;
	p2 =	seq.s32 @!p0 s5, $0x0  }
0x1f: {  	s9 =	smul.u32 $0xF7A, s1;
	s8 =	simm.s32 @!p0 $0x1BF5;
	p2 =	por !p2, p0  }
0x20: {  	[sflag:s8] =	ssyncset.s32 @!p0 $0xFFFFF086;
	s6 =	sadd.s32 @!p0 s3, s7;
	s7 =	simm.s32 @!p0 $0x108  }
0x21: {  	s3 =	sadd.s32 s3, s9;
	s6 =	sadd.s32 @!p0 $0x88, s6;
	s7 =	simm.s32 @p2 $0x1082  }
0x22: {  	[simem:s7], [sflag:s8] =	dma.local @!p0 [hbm:s6], $0xF7A  }
0x23: {  	s9 =	sor.u32 $0xD0000000, s2;
	s6 =	simm.s32 $0x108;
	_ =	swait.ge @!p0 [sflag:s8], $0x0  }
0x24: {  	s3 =	sadd.s32 $0x88, s3;
	s6 =	simm.s32 @!p1 $0x1082;
	[sflag:s4] =	ssyncset.s32 $0xFFFFF086  }
0x25: {  	[simem:s6], [sflag:s4] =	dma.local [hbm:s3], $0xF7A  }
0x26: {  	[smem:$0x3FA0] =	sst s1;
	(tag) =	ssettag s2;
	_ =	strace s9  }
0x27: {  	s1 =	sld [smem:$0x3FB0]  }
0x28: {  	s2 =	sld [smem:$0x3FB1]  }
0x29: {  	s4 =	sld [smem:$0x3FB3]  }
0x2a: {  	p0 =	seq.s32 s5, $0x0;
	s5 =	sld [smem:$0x3FB4]  }
0x2b: {  	s6 =	sld [smem:$0x3FB5]  }
0x2c: {  	s7 =	sld [smem:$0x3FB6]  }
0x2d: {  	s3 =	simm.s32 $0x108;
	s8 =	sld [smem:$0x3FB7]  }
0x2e: {  	s3 =	simm.s32 @!p0 $0x1082;
	s9 =	sld [smem:$0x3FB8]  }
0x2f: {  	lr =	sadd.s32 s0, s3;
	s0 =	sld [smem:$0x3FAF]  }
0x30: {  	s3 =	sld [smem:$0x3FB2]  }
0x31: {  	[smem:$0x3FBB] =	sst s10  }
0x32: {  	s10 =	sld [smem:$0x3FB9];
	_ =	sdelay $0x3  }
0x33: {  	p0 =	seq.s32 s10, $0x1;
	s10 =	sld [smem:$0x3FBB];
	_ =	sdelay $0x3  }
0x34: {  	[smem:$0x3FBB] =	sst s10  }
0x35: {  	s10 =	sld [smem:$0x3FBA];
	_ =	sdelay $0x3  }
0x36: {  	p1 =	seq.s32 s10, $0x1;
	s10 =	sld [smem:$0x3FBB];
	_ =	sdelay $0x3  }
0x37: {  	[smem:$0x3FBB] =	sst s10  }
0x38: {  	s10 =	sld [smem:$0x3FBC]  }
0x39: {  	_ = 	snop;
	(pc) =	sbr.ind lr, $3  }
0x3a: {  	_ = 	snop  }
0x3b: {  	_ = 	snop  }
0x3c: {  	p2 =	seq.s32 s10, $0x1;
	s10 =	sld [smem:$0x3FBB]  }
0x3d: {  	_ =	shalt  }
0x3e: {  	_ =	shalt  }
0x3f: {  	_ =	shalt  }
0x40: {  	_ =	shalt  }
0x41: {  	_ =	shalt  }
0x42: {  	_ =	shalt  }
0x43: {  	_ =	shalt  }
0x44: {  	_ =	shalt  }
0x45: {  	_ =	shalt  }
0x46: {  	_ =	shalt  }
0x47: {  	_ =	shalt  }
0x48: {  	_ =	shalt  }
0x49: {  	_ =	shalt  }
0x4a: {  	_ =	shalt  }
0x4b: {  	_ =	shalt  }
0x4c: {  	_ =	shalt  }
0x4d: {  	_ =	shalt  }
0x4e: {  	_ =	shalt  }
0x4f: {  	_ =	shalt  }
0x50: {  	_ =	shalt  }
0x51: {  	_ =	shalt  }
0x52: {  	_ =	shalt  }
0x53: {  	_ =	shalt  }
0x54: {  	_ =	shalt  }
0x55: {  	_ =	shalt  }
0x56: {  	_ =	shalt  }
0x57: {  	_ =	shalt  }
0x58: {  	_ =	shalt  }
0x59: {  	_ =	shalt  }
0x5a: {  	_ =	shalt  }
0x5b: {  	_ =	shalt  }
0x5c: {  	_ =	shalt  }
0x5d: {  	_ =	shalt  }
0x5e: {  	_ =	shalt  }
0x5f: {  	_ =	shalt  }
0x60: {  	_ =	shalt  }
0x61: {  	_ =	shalt  }
0x62: {  	_ =	shalt  }
0x63: {  	_ =	shalt  }
0x64: {  	_ =	shalt  }
0x65: {  	_ =	shalt  }
0x66: {  	_ =	shalt  }
0x67: {  	_ =	shalt  }
0x68: {  	_ =	shalt  }
0x69: {  	_ =	shalt  }
0x6a: {  	_ =	shalt  }
0x6b: {  	_ =	shalt  }
0x6c: {  	_ =	shalt  }
0x6d: {  	_ =	shalt  }
0x6e: {  	_ =	shalt  }
0x6f: {  	_ =	shalt  }
0x70: {  	_ =	shalt  }
0x71: {  	_ =	shalt  }
0x72: {  	_ =	shalt  }
0x73: {  	_ =	shalt  }
0x74: {  	_ =	shalt  }
0x75: {  	_ =	shalt  }
0x76: {  	_ =	shalt  }
0x77: {  	_ =	shalt  }
0x78: {  	_ =	shalt  }
0x79: {  	_ =	shalt  }
0x7a: {  	_ =	shalt  }
0x7b: {  	_ =	shalt  }
0x7c: {  	_ =	shalt  }
0x7d: {  	_ =	shalt  }
0x7e: {  	_ =	shalt  }
0x7f: {  	_ =	shalt  }
0x80: {  	_ =	shalt  }
0x81: {  	_ =	shalt  }
0x82: {  	_ =	shalt  }
0x83: {  	_ =	shalt  }
0x84: {  	_ =	shalt  }
0x85: {  	_ =	shalt  }
0x86: {  	_ =	shalt  }
0x87: {  	_ =	shalt  }
.Lfunc_end0:
.L_simem_size_0:
called_computation_lowered:
.L_overlay_start_0:
0x88: {  	s2 =	sld [smem:$0x3FD9]  }
0x89: {  	s3 =	sld [smem:$0x3FFE];
	_ =	sdelay $0x1  }
0x8a: {  	s1 =	srdreg.scid  }
0x8b: {  	s0 =	sand.u32 $0x1, s1  }
0x8c: {  	s14 =	sshll.u32 s0, $0xA;
	s2 =	sadd.s32 s3, s2  }
0x8d: {  	s2 =	sadd.s32 s2, s14  }
0x8e: {  	[smem:$0x3FC7] =	sst s2  }
0x8f: {  	_ = 	snop  }
0x90: {  	s2 =	sld [smem:$0x3FD0];
	_ =	sdelay $0x2  }
0x91: {  	s15 =	simm.s32 $0xA;
	s4 =	simm.s32 $0x10  }
0x92: {  	[smem:s4], [sflag:s15] =	dma.local [hbm:s2], $0x1  }
0x93: {  	_ =	swait.eq [sflag:s15], $0x1  }
0x94: {  	[sflag:s15] =	ssyncset.done $0x0  }
0x95: {  	s16 =	sld [smem:$0x10];
	[sflag:s15] =	ssyncadd.s32 $0xFFFFFFFF  }
0x96: {  	s17 =	sld [smem:$0x11];
	(tm) =	ssettm $0x1  }
0x97: {  	s18 =	sld [smem:$0x3FFB];
	_ =	sdelay $0x3  }
0x98: {  	_ =	strace s18  }
0x99: {  	s4 =	sld [smem:$0x3FFC];
	_ =	sdelay $0x3  }
0x9a: {  	_ =	strace s4  }
0x9b: {  	s4 =	sld [smem:$0x3FFD];
	_ =	sdelay $0x3  }
0x9c: {  	_ =	strace s4  }
0x9d: {  	_ =	strace $0x8FFFFFFF  }
0x9e: {  	s19 =	sld [smem:$0x3FDB];
	_ =	sdelay $0x1  }
0x9f: {  	s5 =	simm.s32 $_scs_section_size  }
0xa0: {  	s6 =	simm.s32 $_size__tile_overlayer_lowered;
	s7 =	simm.s32 $_tile_overlayer_lowered  }
0xa1: {  	s22 =	simm.s32 $0x1BFF;
	s21 =	sshll.u32 s7, $0x1;
	s4 =	sadd.s32 s5, s19  }
0xa2: {  	s8 =	simm.s32 $0x0;
	s20 =	sshll.u32 s6, $0x1;
	s6 =	sadd.s32 s21, s4  }
0xa3: {  	[timem:s8], [sflag:s22] =	dma.local [hbm:s6], s20  }
0xa4: {  	_ =	swait.ge [sflag:s22], s20  }
0xa5: {  	s5 =	ssub.s32 $0x0, s20;
	[sflag:s22] =	ssyncset.done $0x0  }
0xa6: {  	[sflag:s22] =	ssyncadd.s32 s5;
	_ =	sdelay $0x1  }
0xa7: {  	s23 =	simm.s32 $0x1B8B  }
0xa8: {  	_ =	swait.ge [sflag:s23], $0x1  }
0xa9: {  	[sflag:s23] =	ssyncset.done $0x0  }
0xaa: {  	s25 =	simm.s32 $0x1B8E;
	s24 =	sld [smem:$0x3FFE];
	[sflag:s23] =	ssyncadd.s32 $0xFFFFFFFF  }
0xab: {  	s26 =	simm.s32 $execute0_lowered;
	[smem:$0x3FD2] =	sst s25  }
0xac: {  	s6 =	sshll.u32 s26, $0x1;
	_ =	strace $0x80000046;
	[dreg:$0x1] =	wrdreg $0xFFFFFFFF  }
0xad: {  	s28 =	simm.s32 $_size_execute0_lowered;
	s4 =	sadd.s32 s4, s6;
	[dreg:$0x0] =	wrdreg $0x0  }
0xae: {  	s6 =	sshll.u32 s28, $0x1;
	[dreg:$0x2] =	wrdreg s4  }
0xaf: {  	[dreg:$0x3] =	wrdreg s6  }
0xb0: {  	[dreg:$0x4] =	wrdreg $0xC0  }
0xb1: {  	_ =	task [dreg:s8], $0x5FFFF  }
0xb2: {  	[dreg:$0x1] =	wrdreg $0xFFFFFFFF  }
0xb3: {  	[dreg:$0x0] =	wrdreg $0x60  }
0xb4: {  	[dreg:$0x2] =	wrdreg s24  }
0xb5: {  	[dreg:$0x3] =	wrdreg s16  }
0xb6: {  	[dreg:$0x4] =	wrdreg s17  }
0xb7: {  	[dreg:$0x5] =	wrdreg $0x9  }
0xb8: {  	_ =	task.clear_ibuf [dreg:s8], $0x6FFFF;
	_ =	strace $0x90000046  }
0xb9: {  	s29 =	simm.s32 $0x9;
	_ =	strace $0x80000048  }
0xba: {  	_ =	swait.ge [sflag:s29], $0x1  }
0xbb: {  	[sflag:s29] =	ssyncadd.s32 $0xFFFFFFFF  }
0xbc: {  	_ =	strace $0x90000048  }
0xbd: {  	_ =	sfence  }
0xbe: {  	s30 =	sld [smem:$0x0];
	_ =	sdelay $0x2  }
0xbf: {  	s31 =	sshll.u32 s1, $0xD;
	s1 =	sshrl.u32 s1, $0x2  }
0xc0: {  	s3 =	sand.u32 $0x4000, s31;
	s1 =	sadd.s32 s1, s30  }
0xc1: {  	s0 =	sor.u32 s3, s0;
	s1 =	sshll.u32 s1, $0x11  }
0xc2: {  	s0 =	sor.u32 s1, s0  }
0xc3: {  	s0 =	sadd.s32 $0x8F2B, s0  }
0xc4: {  	[sflag:s0] =	ssyncadd.remote.s32 $0x1  }
0xc5: {  	_ =	sfence.sel $0xFFFF  }
0xc6: {  	[dreg:$0x0] =	wrdreg $0xFFFFFFFF;
	(pc) =	sbr.abs _section_cstart, $3  }
0xc7: {  	[dreg:$0x1] =	wrdreg $0xFFFFFFFF  }
0xc8: {  	_ =	task.clear_ibuf [dreg:s8], $0x2FFFF;
	_ =	strace $0x9FFFFFFF  }
0xc9: {  	(tm) =	ssettm $0x7FFFFFFF  }
tec
execute0_lowered:
.L_overlay_start_1:
0x0: {  	(tag) =	ssettag $0x1  }
0x1: {  	v0 =	vimm.s32 $0xEFCDAB89;
	v1 =	vimm.s32 $0x67452301  }
0x2: {  	v2 =	vimm.f32 $3.000000010e+38;
	v3 =	vimm.s32 $0xFEDCBA98;
	v4 =	vimm.s32 $0xDCFE98BA  }
0x3: {  	s3 =	rddreg [dreg:$0x0];
	v5 =	vimm.s32 $0x54761032;
	v0 =	vunpack.c.l.s4.s8 v0;
	v1 =	vunpack.c.l.s4.s8 v1  }
0x4: {  	s5 =	rddreg [dreg:$0x1];
	v6 =	vimm.s32 $0xBA98FEDC;
	v7 =	vimm.s32 $0x32107654;
	v4 =	vunpack.c.l.s4.s8 v4  }
0x5: {  	s6 =	rddreg [dreg:$0x2];
	v5 =	vunpack.c.l.s4.s8 v5;
	v0 =	vunpack.c.0.s8.s32 v0;
	v1 =	vunpack.c.0.s8.s32 v1  }
0x6: {  	s0 =	rddreg [dreg:$0x3];
	s1 =	simm.s32 $0x0;
	s4 =	srdreg.scid;
	v3 =	vunpack.c.l.s4.s8 v3;
	v6 =	vunpack.c.l.s4.s8 v6;
	v7 =	vunpack.c.l.s4.s8 v7  }
0x7: {  	s2 =	stileid.u32;
	s10 =	simm.s32 $0x2;
	s11 =	simm.s32 $0x17C80;
	v8 =	vcombine.low v1, v0;
	v0 =	vunpack.c.0.s8.s32 v4;
	v1 =	vunpack.c.0.s8.s32 v5  }
0x8: {  	s12 =	simm.s32 $0x0;
	[smem:$0x7FF] =	sst s1;
	s4 =	sand.u32 $0x1, s4;
	v4 =	vunpack.c.0.s8.s32 v6;
	v5 =	vunpack.c.0.s8.s32 v7;
	v6 =	vimm.s32 $0x76543210  }
.Ltmp0:
0x9: {  	vm0 =	vcmask $0x1F00;
	s7 =	sshll.u32 s2, $0x1;
	s3 =	sadd.s32 $0x800, s3;
	v7 =	vunpack.c.0.s8.s32 v3;
	v3 =	vunpack.c.l.s4.s8 v6;
	(pc) =	sbr.rel .LBB2_1-.Ltmp0, $4  }
0xa: {  	_ =	strace $0x80000047;
	s8 =	ssub.s32 $0x2, s4;
	s7 =	sor.u32 s4, s7;
	v6 =	vcombine.low v1, v0;
	v0 =	vsel vm0, $0xFF61B1E6, v2;
	v4 =	vcombine.low v5, v4  }
0xb: {  	s9 =	sshrl.u32 s8, $0x1;
	s4 =	sshll.u32 s7, $0x4;
	s7 =	sshll.u32 s7, $0x7;
	v1 =	vnsel vm0, $0x40000000, v7;
	v2 =	vand.u32 $0xF, v8;
	v5 =	vunpack.c.0.s8.s32 v3  }
0xc: {  	s8 =	ssub.s32 s8, s9;
	s5 =	sadd.s32 s5, s7;
	s6 =	sadd.s32 s6, s4;
	vm0 =	vcmask $0x300;
	v3 =	vand.u32 $0xF, v6;
	v6 =	vand.u32 $0xF, v7  }
0xd: {  	s9 =	simm.s32 $0x17800;
	s7 =	smax.u32 s8, $0x1;
	s8 =	simm.s32 $0x1;
	v4 =	vand.u32 $0xF, v4;
	v5 =	vcombine.low v6, v5;
	v6 =	vlaneseq.u32  }
.LBB2_32:
0xe: {  	[hbm4b:s5+s1] =	stream.linear.scatter [tilespmem:s9], [sflag:$0x2], $0x400, $0x38;
	[tilespmem:$0x17D80] =	vst v63  }
0xf: {  	s12 =	sadd.s32 $0x1, s12;
	_ =	swait.ge [sflag:s10], $0x400  }
0x10: {  	p0 =	sne.s32 s12, s7;
	[sflag:s10] =	ssyncset.done $0x0  }
.Ltmp1:
0x11: {  	[sflag:s10] =	ssyncadd.s32 $0xFFFFFC00;
	(pc) =	sbr.rel @!p0 .LBB2_33-.Ltmp1, $4  }
0x12: {  	[hbm4b:s6+s1] =	stream.linear.scatter [tilespmem:s11], [sflag:$0x2], $0x80, $0x38;
	[tilespmem:$0x17D80] =	vst v63  }
0x13: {  	_ =	swait.ge [sflag:s10], $0x80  }
0x14: {  	[sflag:s10] =	ssyncset.done $0x0  }
0x15: {  	[sflag:s10] =	ssyncadd.s32 $0xFFFFFF80  }
.LBB2_1:
.Ltmp2:
0x16: {  	(pc) =	sbr.rel .LBB2_2-.Ltmp2, $2  }
0x17: {  	_ =	sdelay $0x2  }
0x18: {  	s13 =	simm.s32 $0x0  }
.LBB2_31:
0x19: {  	s13 =	sadd.s32 $0x1, s13  }
0x1a: {  	p0 =	sne.s32 s13, $0x10  }
.Ltmp3:
0x1b: {  	_ = 	snop;
	(pc) =	sbr.rel @!p0 .LBB2_32-.Ltmp3, $1  }
0x1c: {  	_ =	sdelay $0x3  }
.LBB2_2:
0x1d: {  	s14 =	sadd.s32 s4, s13  }
0x1e: {  	s14 =	smul.u32 $0x2F00, s14;
	_ =	sdelay $0x1  }
.Ltmp4:
0x1f: {  	s15 =	sadd.s32 s3, s14;
	s14 =	simm.s32 $0x0;
	(pc) =	sbr.rel .LBB2_3-.Ltmp4, $4  }
0x20: {  	[tilespmem:s14], [sflag:$0x1] =	stream.linear.gather [hbm4b:s15+s14], $0x17800, $0x38;
	[tilespmem:$0x17D80] =	vst v63  }
0x21: {  	_ =	swait.ge [sflag:s8], $0x17800  }
0x22: {  	s15 =	sshll.u32 s13, $0x3;
	[sflag:s8] =	ssyncset.done $0x0  }
0x23: {  	v7 =	vmov s15;
	[sflag:s8] =	ssyncadd.s32 $0xFFFE8800  }
.LBB2_30:
0x24: {  	v8 =	vxor.u32 $0x80000000, v10  }
0x25: {  	(xrf1) =	vsort.ascd.msk.u32 $0xffff, v8, v9;
	_ =	sdelay $0xd  }
0x26: {  	v8, v9, _ =	vpop (xrf1)  }
0x27: {  	(v2sf) =	vpush v9, $0x7;
	_ =	sdelay $0xc  }
0x28: {  	v8 =	vxor.u32 $0x80000000, v8  }
0x29: {  	v8 =	vcvt.s32.f32 v8  }
0x2a: {  	s16 =	spop (v2sf)  }
0x2b: {  	v8 =	vmul.f32 $9.999999770e-03, v8;
	p0 =	sgt.f32 s16, $0.0e+00  }
0x2c: {  	s17 =	sadd.s32 s15, s14;
	s16 =	simm.f32 $1.000000000e+00  }
0x2d: {  	s17 =	sshll.u32 s17, $0x3;
	v8 =	vadd.f32 $-6.000000000e+01, v8;
	s16 =	simm.s32 @!p0 $0x0  }
0x2e: {  	s17 =	sand.u32 $0x3FFFFFF8, s17;
	v63 =	vmov s16  }
0x2f: {  	[tilespmem:s17+$0x17800] =	vst v8;
	v8 =	vnsel vm0, $0x0, v63  }
0x30: {  	[tilespmem:v7+s14+$0x17C80 ss:$0x1] =	vst.idx.msk $0xffff, v8;
	s14 =	sadd.s32 $0x1, s14  }
0x31: {  	p0 =	sne.s32 s14, $0x8  }
.Ltmp5:
0x32: {  	_ = 	snop;
	(pc) =	sbr.rel @!p0 .LBB2_31-.Ltmp5, $1  }
0x33: {  	_ =	sdelay $0x3  }
.LBB2_3:
.Ltmp6:
0x34: {  	(pc) =	sbr.rel .LBB2_4-.Ltmp6, $3  }
0x35: {  	_ =	sdelay $0x1  }
0x36: {  	s16 =	sshll.u32 s14, $0x7  }
0x37: {  	v8 =	vimm.f32 $-3.000000010e+38;
	v10 =	vmovc v1;
	v9 =	vmov v0;
	s17 =	simm.s32 $0x0;
	v11 =	vmov s16  }
.LBB2_27:
0x38: {  	v9 =	vpsel p0, v9, v9;
	v10 =	vpsel p0, v10, v10;
	v8 =	vpsel p0, v8, v8  }
.LBB2_29:
0x39: {  	s17 =	sadd.s32 $0x1, s17  }
0x3a: {  	p0 =	sne.s32 s17, $0x5E  }
.Ltmp7:
0x3b: {  	_ = 	snop;
	(pc) =	sbr.rel @!p0 .LBB2_30-.Ltmp7, $1  }
0x3c: {  	_ =	sdelay $0x3  }
.LBB2_4:
0x3d: {  	_ =	sdelay $0x1  }
0x3e: {  	s18 =	sshll.u32 s17, $0xA  }
0x3f: {  	s18 =	sand.u32 $0x3FFFFC00, s18  }
0x40: {  	v20 =	vld.idx.msk [tilespmem:v11+s18+$0x0 ss:$0x1], $0xffff  }
0x41: {  	v18 =	vld.idx.msk [tilespmem:v11+s18+$0x10 ss:$0x1], $0xffff  }
0x42: {  	v17 =	vld.idx.msk [tilespmem:v11+s18+$0x20 ss:$0x1], $0xffff  }
0x43: {  	v16 =	vld.idx.msk [tilespmem:v11+s18+$0x30 ss:$0x1], $0xffff  }
0x44: {  	v15 =	vld.idx.msk [tilespmem:v11+s18+$0x40 ss:$0x1], $0xffff  }
0x45: {  	v14 =	vld.idx.msk [tilespmem:v11+s18+$0x50 ss:$0x1], $0xffff  }
0x46: {  	v13 =	vld.idx.msk [tilespmem:v11+s18+$0x60 ss:$0x1], $0xffff  }
0x47: {  	v12 =	vld.idx.msk [tilespmem:v11+s18+$0x70 ss:$0x1], $0xffff;
	_ =	sdelay $0x3  }
0x48: {  	v19 =	vmax.f32 v20, v18  }
0x49: {  	v21 =	vmax.f32 v17, v16;
	v22 =	vmax.f32 v15, v14;
	v23 =	vmax.f32 v13, v12  }
0x4a: {  	v19 =	vmax.f32 v19, v21;
	v21 =	vmax.f32 v22, v23  }
0x4b: {  	v19 =	vmax.f32 v19, v21  }
0x4c: {  	vm1 =	vgt.f32 v19, v8  }
0x4d: {  	v19 =	vmpcnt.ones.xlane vm1;
	_ =	sdelay $0x1  }
0x4e: {  	(v2sf) =	vpush v19, $0x0;
	_ =	sdelay $0xe  }
0x4f: {  	s19 =	spop (v2sf)  }
0x50: {  	p0 =	slt.s32 s19, $0x1  }
.Ltmp8:
0x51: {  	_ = 	snop;
	(pc) =	sbr.rel @p0 .LBB2_29-.Ltmp8, $2  }
0x52: {  	_ =	sdelay $0x2  }
0x53: {  	s19 =	sadd.s32 s18, s16  }
0x54: {  	vm1 =	vgt.f32 v20, v8  }
0x55: {  	v19 =	vmpcnt.ones.xlane vm1;
	_ =	sdelay $0x1  }
0x56: {  	(v2sf) =	vpush v19, $0x0;
	_ =	sdelay $0xe  }
0x57: {  	s20 =	spop (v2sf)  }
0x58: {  	s18 =	sshll.u32 s17, $0x7;
	p0 =	slt.s32 s20, $0x1  }
0x59: {  	s20 =	smax.u32 @!p0 s18, $0x10  }
0x5a: {  	s20 =	sadd.s32 @!p0 $0xFFFFFFF0, s20  }
0x5b: {  	s21 =	sshll.u32 @!p0 s20, $0x3  }
0x5c: {  	s20 =	sand.u32 @!p0 $0x70, s20;
	s21 =	sand.u32 @!p0 $0x1FC00, s21  }
0x5d: {  	s20 =	sor.u32 @!p0 s20, s21  }
0x5e: {  	v19 =	vld.idx.msk @!p0 [tilespmem:v11+s20+$0x0 ss:$0x1], $0xffff;
	_ =	sdelay $0x4  }
0x5f: {  	(v2sf) =	vpush @!p0 v19, $0xF;
	_ =	sdelay $0x6  }
0x60: {  	v19 =	vimm.s32 @!p0 $0xEDCBA987  }
0x61: {  	v21 =	vimm.s32 @!p0 $0x65432100;
	v19 =	vunpack.c.l.s4.s8 @!p0 v19  }
0x62: {  	v21 =	vunpack.c.l.s4.s8 @!p0 v21  }
0x63: {  	v19 =	vunpack.c.0.s8.s32 @!p0 v19  }
0x64: {  	v21 =	vunpack.c.0.s8.s32 @!p0 v21  }
0x65: {  	v19 =	vand.u32 @!p0 $0xF, v19  }
0x66: {  	v19 =	vcombine.low @!p0 v21, v19;
	v21 =	vld @!p0 [tilespmem:s19+$0x1]  }
0x67: {  	p1 =	seq.s32 @!p0 s17, $0x0  }
0x68: {  	v22 =	vlaneseq.u32 @!p0;
	p1 =	por !p1, p0;
	v19 =	vperm.xlane @!p0 v20, v19;
	s20 =	spop @!p0 (v2sf)  }
0x69: {  	vm1 =	veq.s32 @!p0 v22, $0x0;
	s20 =	simm.s32 @!p1 $0x7F61B1E6  }
0x6a: {  	v23 =	vadd.s32 @!p0 $0xFFFFFFFF, v22;
	v19 =	vsel @!p0 vm1, s20, v19  }
0x6b: {  	vm2 =	vle.f32 @!p0 v21, v20;
	vm1 =	vge.f32 @!p0 v20, v19;
	v19 =	vadd.s32 @!p0 s18, v23  }
0x6c: {  	vm1 =	vmand @!p0 vm2, vm1;
	vm2 =	vlt.u32 @!p0 v19, $0x2EDF  }
0x6d: {  	vm1 =	vmand @!p0 vm2, vm1  }
0x6e: {  	v19 =	vor.u32 @!p0 s18, v22;
	v20 =	vnsel @!p0 vm1, $0xCE6E6B28, v20  }
0x6f: {  	vm1 =	vlt.u32 @!p0 v19, $0x2EE1;
	vm2 =	vgt.f32 @!p0 v20, v8  }
0x70: {  	vm1 =	vmand @!p0 vm1, vm2  }
0x71: {  	v21 =	vmpcnt.ones.xlane @!p0 vm1;
	_ =	sdelay $0x1  }
0x72: {  	(v2sf) =	vpush @!p0 v21, $0x0;
	_ =	sdelay $0xe  }
0x73: {  	s20 =	spop @!p0 (v2sf)  }
0x74: {  	p1 =	slt.s32 @!p0 s20, $0x1  }
0x75: {  	p1 =	por p0, p1  }
.Ltmp9:
0x76: {  	_ = 	snop;
	(pc) =	sbr.rel @p1 .LBB2_6-.Ltmp9, $1  }
0x77: {  	_ =	sdelay $0x3  }
.LBB2_7:
0x78: {  	v21 =	vperm.xlane v9, v2;
	_ =	sdelay $0x1  }
0x79: {  	v21 =	vmin.f32 v9, v21  }
0x7a: {  	v22 =	vperm.xlane v21, v3;
	_ =	sdelay $0x1  }
0x7b: {  	v21 =	vmin.f32 v21, v22  }
0x7c: {  	v22 =	vperm.xlane v21, v4;
	_ =	sdelay $0x1  }
0x7d: {  	v21 =	vmin.f32 v21, v22  }
0x7e: {  	v22 =	vperm.xlane v21, v5;
	_ =	sdelay $0x1  }
0x7f: {  	v21 =	vmin.f32 v21, v22  }
0x80: {  	vm2 =	veq.f32 v9, v21  }
0x81: {  	v21 =	vnsel vm2, $0xC0000000, v10  }
0x82: {  	v22 =	vperm.xlane v21, v2;
	_ =	sdelay $0x1  }
0x83: {  	vm2 =	vgt.s32 v21, v22  }
0x84: {  	v21 =	vsel vm2, v21, v22  }
0x85: {  	v22 =	vperm.xlane v21, v3;
	_ =	sdelay $0x1  }
0x86: {  	vm2 =	vgt.s32 v21, v22  }
0x87: {  	v21 =	vsel vm2, v21, v22  }
0x88: {  	v22 =	vperm.xlane v21, v4;
	_ =	sdelay $0x1  }
0x89: {  	vm2 =	vgt.s32 v21, v22  }
0x8a: {  	v21 =	vsel vm2, v21, v22  }
0x8b: {  	v22 =	vmctz.xlane vm1;
	v23 =	vperm.xlane v21, v5;
	_ =	sdelay $0x1  }
0x8c: {  	v24 =	vperm.xlane v20, v22;
	vm2 =	vgt.s32 v21, v23  }
0x8d: {  	v21 =	vsel vm2, v21, v23  }
0x8e: {  	vm2 =	vgt.f32 v24, v8;
	vm3 =	veq.s32 v10, v21  }
0x8f: {  	vm3 =	vmand vm2, vm3  }
0x90: {  	v9 =	vsel vm3, v24, v9  }
0x91: {  	v21 =	vperm.xlane v9, v2;
	_ =	sdelay $0x1  }
0x92: {  	v21 =	vmin.f32 v9, v21  }
0x93: {  	v23 =	vperm.xlane v21, v3;
	_ =	sdelay $0x1  }
0x94: {  	v21 =	vmin.f32 v21, v23  }
0x95: {  	v23 =	vperm.xlane v21, v4;
	_ =	sdelay $0x1  }
0x96: {  	v21 =	vmin.f32 v21, v23  }
0x97: {  	v23 =	vperm.xlane v21, v5;
	_ =	sdelay $0x1  }
0x98: {  	v21 =	vmin.f32 v21, v23  }
0x99: {  	v8 =	vsel vm2, v21, v8  }
0x9a: {  	vm2 =	vne.s32 v22, v6;
	vm4 =	vgt.f32 v20, v8  }
0x9b: {  	vm2 =	vmand vm2, vm4  }
0x9c: {  	vm1 =	vmand vm1, vm2  }
0x9d: {  	v21 =	vmpcnt.ones.xlane vm1;
	_ =	sdelay $0x1  }
0x9e: {  	(v2sf) =	vpush v21, $0x0;
	_ =	sdelay $0xe  }
0x9f: {  	s20 =	spop (v2sf)  }
0xa0: {  	p0 =	sgt.s32 s20, $0x0  }
.Ltmp10:
0xa1: {  	_ = 	snop;
	(pc) =	sbr.rel @p0 .LBB2_7-.Ltmp10, $3  }
0xa2: {  	_ = 	snop  }
0xa3: {  	v21 =	vperm.xlane v19, v22;
	_ =	sdelay $0x1  }
0xa4: {  	v10 =	vsel vm3, v21, v10  }
.Ltmp11:
0xa5: {  	_ = 	snop;
	(pc) =	sbr.rel .LBB2_8-.Ltmp11, $1  }
0xa6: {  	_ =	sdelay $0x3  }
.LBB2_6:
0xa7: {  	v9 =	vpsel p0, v9, v9;
	v10 =	vpsel p0, v10, v10;
	v8 =	vpsel p0, v8, v8  }
.LBB2_8:
0xa8: {  	vm1 =	vgt.f32 v18, v8  }
0xa9: {  	v19 =	vmpcnt.ones.xlane vm1;
	_ =	sdelay $0x1  }
0xaa: {  	(v2sf) =	vpush v19, $0x0;
	_ =	sdelay $0xe  }
0xab: {  	s20 =	spop (v2sf)  }
0xac: {  	p0 =	slt.s32 s20, $0x1  }
0xad: {  	v19 =	vld @!p0 [tilespmem:s19+$0xF]  }
0xae: {  	v20 =	vld @!p0 [tilespmem:s19+$0x11];
	_ =	sdelay $0x2  }
0xaf: {  	v21 =	vlaneseq.u32 @!p0  }
0xb0: {  	s20 =	sor.u32 $0x10, s18;
	v22 =	vadd.s32 @!p0 $0xFFFFFFFF, v21  }
0xb1: {  	vm1 =	vge.f32 @!p0 v18, v19;
	vm2 =	vle.f32 @!p0 v20, v18;
	v19 =	vadd.s32 @!p0 s20, v22  }
0xb2: {  	vm1 =	vmand @!p0 vm1, vm2;
	vm2 =	vlt.u32 @!p0 v19, $0x2EDF  }
0xb3: {  	vm1 =	vmand @!p0 vm2, vm1  }
0xb4: {  	v19 =	vor.u32 @!p0 s20, v21;
	v18 =	vnsel @!p0 vm1, $0xCE6E6B28, v18  }
0xb5: {  	vm1 =	vlt.u32 @!p0 v19, $0x2EE1;
	vm2 =	vgt.f32 @!p0 v18, v8  }
0xb6: {  	vm1 =	vmand @!p0 vm1, vm2  }
0xb7: {  	v20 =	vmpcnt.ones.xlane @!p0 vm1;
	_ =	sdelay $0x1  }
0xb8: {  	(v2sf) =	vpush @!p0 v20, $0x0;
	_ =	sdelay $0xe  }
0xb9: {  	s20 =	spop @!p0 (v2sf)  }
0xba: {  	p1 =	slt.s32 @!p0 s20, $0x1  }
0xbb: {  	p1 =	por p0, p1  }
.Ltmp12:
0xbc: {  	_ = 	snop;
	(pc) =	sbr.rel @p1 .LBB2_9-.Ltmp12, $1  }
0xbd: {  	_ =	sdelay $0x3  }
.LBB2_10:
0xbe: {  	v20 =	vperm.xlane v9, v2;
	_ =	sdelay $0x1  }
0xbf: {  	v20 =	vmin.f32 v9, v20  }
0xc0: {  	v21 =	vperm.xlane v20, v3;
	_ =	sdelay $0x1  }
0xc1: {  	v20 =	vmin.f32 v20, v21  }
0xc2: {  	v21 =	vperm.xlane v20, v4;
	_ =	sdelay $0x1  }
0xc3: {  	v20 =	vmin.f32 v20, v21  }
0xc4: {  	v21 =	vperm.xlane v20, v5;
	_ =	sdelay $0x1  }
0xc5: {  	v20 =	vmin.f32 v20, v21  }
0xc6: {  	vm2 =	veq.f32 v9, v20  }
0xc7: {  	v20 =	vnsel vm2, $0xC0000000, v10  }
0xc8: {  	v61 =	vperm.xlane v20, v2;
	_ =	sdelay $0x1  }
0xc9: {  	vm2 =	vgt.s32 v20, v61  }
0xca: {  	v20 =	vsel vm2, v20, v61  }
0xcb: {  	v21 =	vperm.xlane v20, v3;
	_ =	sdelay $0x1  }
0xcc: {  	vm2 =	vgt.s32 v20, v21  }
0xcd: {  	v20 =	vsel vm2, v20, v21  }
0xce: {  	v21 =	vperm.xlane v20, v4;
	_ =	sdelay $0x1  }
0xcf: {  	vm2 =	vgt.s32 v20, v21  }
0xd0: {  	v20 =	vsel vm2, v20, v21  }
0xd1: {  	v62 =	vmctz.xlane vm1;
	v22 =	vperm.xlane v20, v5;
	_ =	sdelay $0x1  }
0xd2: {  	v23 =	vperm.xlane v18, v62;
	vm2 =	vgt.s32 v20, v22  }
0xd3: {  	v20 =	vsel vm2, v20, v22  }
0xd4: {  	vm2 =	vgt.f32 v23, v8;
	vm3 =	veq.s32 v10, v20  }
0xd5: {  	vm3 =	vmand vm2, vm3  }
0xd6: {  	v9 =	vsel vm3, v23, v9  }
0xd7: {  	v20 =	vperm.xlane v9, v2;
	_ =	sdelay $0x1  }
0xd8: {  	v20 =	vmin.f32 v9, v20  }
0xd9: {  	v63 =	vperm.xlane v20, v3;
	_ =	sdelay $0x1  }
0xda: {  	v20 =	vmin.f32 v20, v63  }
0xdb: {  	v22 =	vperm.xlane v20, v4;
	_ =	sdelay $0x1  }
0xdc: {  	v20 =	vmin.f32 v20, v22  }
0xdd: {  	v22 =	vperm.xlane v20, v5;
	_ =	sdelay $0x1  }
0xde: {  	v20 =	vmin.f32 v20, v22  }
0xdf: {  	v8 =	vsel vm2, v20, v8  }
0xe0: {  	vm2 =	vne.s32 v62, v6;
	vm4 =	vgt.f32 v18, v8  }
0xe1: {  	vm2 =	vmand vm2, vm4  }
0xe2: {  	vm1 =	vmand vm1, vm2  }
0xe3: {  	v20 =	vmpcnt.ones.xlane vm1;
	_ =	sdelay $0x1  }
0xe4: {  	(v2sf) =	vpush v20, $0x0;
	_ =	sdelay $0xe  }
0xe5: {  	s20 =	spop (v2sf)  }
0xe6: {  	p0 =	sgt.s32 s20, $0x0  }
.Ltmp13:
0xe7: {  	_ = 	snop;
	(pc) =	sbr.rel @p0 .LBB2_10-.Ltmp13, $3  }
0xe8: {  	_ = 	snop  }
0xe9: {  	v20 =	vperm.xlane v19, v62;
	_ =	sdelay $0x1  }
0xea: {  	v10 =	vsel vm3, v20, v10  }
.Ltmp14:
0xeb: {  	_ = 	snop;
	(pc) =	sbr.rel .LBB2_11-.Ltmp14, $1  }
0xec: {  	_ =	sdelay $0x3  }
.LBB2_9:
0xed: {  	v9 =	vpsel p0, v9, v9;
	v10 =	vpsel p0, v10, v10;
	v8 =	vpsel p0, v8, v8  }
.LBB2_11:
0xee: {  	vm1 =	vgt.f32 v17, v8  }
0xef: {  	v18 =	vmpcnt.ones.xlane vm1;
	_ =	sdelay $0x1  }
0xf0: {  	(v2sf) =	vpush v18, $0x0;
	_ =	sdelay $0xe  }
0xf1: {  	s20 =	spop (v2sf)  }
0xf2: {  	p0 =	slt.s32 s20, $0x1  }
0xf3: {  	v18 =	vld @!p0 [tilespmem:s19+$0x1F]  }
0xf4: {  	v19 =	vld @!p0 [tilespmem:s19+$0x21];
	_ =	sdelay $0x2  }
0xf5: {  	v20 =	vlaneseq.u32 @!p0  }
0xf6: {  	s20 =	sor.u32 $0x20, s18;
	v21 =	vadd.s32 @!p0 $0xFFFFFFFF, v20  }
0xf7: {  	vm1 =	vge.f32 @!p0 v17, v18;
	vm2 =	vle.f32 @!p0 v19, v17;
	v18 =	vadd.s32 @!p0 s20, v21  }
0xf8: {  	vm1 =	vmand @!p0 vm1, vm2;
	vm2 =	vlt.u32 @!p0 v18, $0x2EDF  }
0xf9: {  	vm1 =	vmand @!p0 vm2, vm1  }
0xfa: {  	v18 =	vor.u32 @!p0 s20, v20;
	v17 =	vnsel @!p0 vm1, $0xCE6E6B28, v17  }
0xfb: {  	vm1 =	vlt.u32 @!p0 v18, $0x2EE1;
	vm2 =	vgt.f32 @!p0 v17, v8  }
0xfc: {  	vm1 =	vmand @!p0 vm1, vm2  }
0xfd: {  	v19 =	vmpcnt.ones.xlane @!p0 vm1;
	_ =	sdelay $0x1  }
0xfe: {  	(v2sf) =	vpush @!p0 v19, $0x0;
	_ =	sdelay $0xe  }
0xff: {  	s20 =	spop @!p0 (v2sf)  }
0x100: {  	p1 =	slt.s32 @!p0 s20, $0x1  }
0x101: {  	p1 =	por p0, p1  }
.Ltmp15:
0x102: {  	_ = 	snop;
	(pc) =	sbr.rel @p1 .LBB2_12-.Ltmp15, $1  }
0x103: {  	_ =	sdelay $0x3  }
.LBB2_13:
0x104: {  	v19 =	vperm.xlane v9, v2;
	_ =	sdelay $0x1  }
0x105: {  	v19 =	vmin.f32 v9, v19  }
0x106: {  	v20 =	vperm.xlane v19, v3;
	_ =	sdelay $0x1  }
0x107: {  	v19 =	vmin.f32 v19, v20  }
0x108: {  	v20 =	vperm.xlane v19, v4;
	_ =	sdelay $0x1  }
0x109: {  	v19 =	vmin.f32 v19, v20  }
0x10a: {  	v20 =	vperm.xlane v19, v5;
	_ =	sdelay $0x1  }
0x10b: {  	v19 =	vmin.f32 v19, v20  }
0x10c: {  	vm2 =	veq.f32 v9, v19  }
0x10d: {  	v19 =	vnsel vm2, $0xC0000000, v10  }
0x10e: {  	v20 =	vperm.xlane v19, v2;
	_ =	sdelay $0x1  }
0x10f: {  	vm2 =	vgt.s32 v19, v20  }
0x110: {  	v19 =	vsel vm2, v19, v20  }
0x111: {  	v20 =	vperm.xlane v19, v3;
	_ =	sdelay $0x1  }
0x112: {  	vm2 =	vgt.s32 v19, v20  }
0x113: {  	v19 =	vsel vm2, v19, v20  }
0x114: {  	v20 =	vperm.xlane v19, v4;
	_ =	sdelay $0x1  }
0x115: {  	vm2 =	vgt.s32 v19, v20  }
0x116: {  	v19 =	vsel vm2, v19, v20  }
0x117: {  	v20 =	vmctz.xlane vm1;
	v21 =	vperm.xlane v19, v5;
	_ =	sdelay $0x1  }
0x118: {  	v22 =	vperm.xlane v17, v20;
	vm2 =	vgt.s32 v19, v21  }
0x119: {  	v19 =	vsel vm2, v19, v21  }
0x11a: {  	vm2 =	vgt.f32 v22, v8;
	vm3 =	veq.s32 v10, v19  }
0x11b: {  	vm3 =	vmand vm2, vm3  }
0x11c: {  	v9 =	vsel vm3, v22, v9  }
0x11d: {  	v19 =	vperm.xlane v9, v2;
	_ =	sdelay $0x1  }
0x11e: {  	v19 =	vmin.f32 v9, v19  }
0x11f: {  	v63 =	vperm.xlane v19, v3;
	_ =	sdelay $0x1  }
0x120: {  	v19 =	vmin.f32 v19, v63  }
0x121: {  	v21 =	vperm.xlane v19, v4;
	_ =	sdelay $0x1  }
0x122: {  	v19 =	vmin.f32 v19, v21  }
0x123: {  	v21 =	vperm.xlane v19, v5;
	_ =	sdelay $0x1  }
0x124: {  	v19 =	vmin.f32 v19, v21  }
0x125: {  	v8 =	vsel vm2, v19, v8  }
0x126: {  	vm2 =	vne.s32 v20, v6;
	vm4 =	vgt.f32 v17, v8  }
0x127: {  	vm2 =	vmand vm2, vm4  }
0x128: {  	vm1 =	vmand vm1, vm2  }
0x129: {  	v19 =	vmpcnt.ones.xlane vm1;
	_ =	sdelay $0x1  }
0x12a: {  	(v2sf) =	vpush v19, $0x0;
	_ =	sdelay $0xe  }
0x12b: {  	s20 =	spop (v2sf)  }
0x12c: {  	p0 =	sgt.s32 s20, $0x0  }
.Ltmp16:
0x12d: {  	_ = 	snop;
	(pc) =	sbr.rel @p0 .LBB2_13-.Ltmp16, $3  }
0x12e: {  	_ = 	snop  }
0x12f: {  	v19 =	vperm.xlane v18, v20;
	_ =	sdelay $0x1  }
0x130: {  	v10 =	vsel vm3, v19, v10  }
.Ltmp17:
0x131: {  	_ = 	snop;
	(pc) =	sbr.rel .LBB2_14-.Ltmp17, $1  }
0x132: {  	_ =	sdelay $0x3  }
.LBB2_12:
0x133: {  	v9 =	vpsel p0, v9, v9;
	v10 =	vpsel p0, v10, v10;
	v8 =	vpsel p0, v8, v8  }
.LBB2_14:
0x134: {  	vm1 =	vgt.f32 v16, v8  }
0x135: {  	v17 =	vmpcnt.ones.xlane vm1;
	_ =	sdelay $0x1  }
0x136: {  	(v2sf) =	vpush v17, $0x0;
	_ =	sdelay $0xe  }
0x137: {  	s20 =	spop (v2sf)  }
0x138: {  	p0 =	slt.s32 s20, $0x1  }
0x139: {  	v17 =	vld @!p0 [tilespmem:s19+$0x2F]  }
0x13a: {  	v18 =	vld @!p0 [tilespmem:s19+$0x31];
	_ =	sdelay $0x2  }
0x13b: {  	v19 =	vlaneseq.u32 @!p0  }
0x13c: {  	s20 =	sor.u32 $0x30, s18;
	v20 =	vadd.s32 @!p0 $0xFFFFFFFF, v19  }
0x13d: {  	vm1 =	vge.f32 @!p0 v16, v17;
	vm2 =	vle.f32 @!p0 v18, v16;
	v17 =	vadd.s32 @!p0 s20, v20  }
0x13e: {  	vm1 =	vmand @!p0 vm1, vm2;
	vm2 =	vlt.u32 @!p0 v17, $0x2EDF  }
0x13f: {  	vm1 =	vmand @!p0 vm2, vm1  }
0x140: {  	v17 =	vor.u32 @!p0 s20, v19;
	v16 =	vnsel @!p0 vm1, $0xCE6E6B28, v16  }
0x141: {  	vm1 =	vlt.u32 @!p0 v17, $0x2EE1;
	vm2 =	vgt.f32 @!p0 v16, v8  }
0x142: {  	vm1 =	vmand @!p0 vm1, vm2  }
0x143: {  	v18 =	vmpcnt.ones.xlane @!p0 vm1;
	_ =	sdelay $0x1  }
0x144: {  	(v2sf) =	vpush @!p0 v18, $0x0;
	_ =	sdelay $0xe  }
0x145: {  	s20 =	spop @!p0 (v2sf)  }
0x146: {  	p1 =	slt.s32 @!p0 s20, $0x1  }
0x147: {  	p1 =	por p0, p1  }
.Ltmp18:
0x148: {  	_ = 	snop;
	(pc) =	sbr.rel @p1 .LBB2_15-.Ltmp18, $1  }
0x149: {  	_ =	sdelay $0x3  }
.LBB2_16:
0x14a: {  	v18 =	vperm.xlane v9, v2;
	_ =	sdelay $0x1  }
0x14b: {  	v18 =	vmin.f32 v9, v18  }
0x14c: {  	v19 =	vperm.xlane v18, v3;
	_ =	sdelay $0x1  }
0x14d: {  	v18 =	vmin.f32 v18, v19  }
0x14e: {  	v19 =	vperm.xlane v18, v4;
	_ =	sdelay $0x1  }
0x14f: {  	v18 =	vmin.f32 v18, v19  }
0x150: {  	v19 =	vperm.xlane v18, v5;
	_ =	sdelay $0x1  }
0x151: {  	v18 =	vmin.f32 v18, v19  }
0x152: {  	vm2 =	veq.f32 v9, v18  }
0x153: {  	v18 =	vnsel vm2, $0xC0000000, v10  }
0x154: {  	v19 =	vperm.xlane v18, v2;
	_ =	sdelay $0x1  }
0x155: {  	vm2 =	vgt.s32 v18, v19  }
0x156: {  	v18 =	vsel vm2, v18, v19  }
0x157: {  	v19 =	vperm.xlane v18, v3;
	_ =	sdelay $0x1  }
0x158: {  	vm2 =	vgt.s32 v18, v19  }
0x159: {  	v18 =	vsel vm2, v18, v19  }
0x15a: {  	v19 =	vperm.xlane v18, v4;
	_ =	sdelay $0x1  }
0x15b: {  	vm2 =	vgt.s32 v18, v19  }
0x15c: {  	v18 =	vsel vm2, v18, v19  }
0x15d: {  	v19 =	vmctz.xlane vm1;
	v20 =	vperm.xlane v18, v5;
	_ =	sdelay $0x1  }
0x15e: {  	v21 =	vperm.xlane v16, v19;
	vm2 =	vgt.s32 v18, v20  }
0x15f: {  	v18 =	vsel vm2, v18, v20  }
0x160: {  	vm2 =	vgt.f32 v21, v8;
	vm3 =	veq.s32 v10, v18  }
0x161: {  	vm3 =	vmand vm2, vm3  }
0x162: {  	v9 =	vsel vm3, v21, v9  }
0x163: {  	v18 =	vperm.xlane v9, v2;
	_ =	sdelay $0x1  }
0x164: {  	v18 =	vmin.f32 v9, v18  }
0x165: {  	v63 =	vperm.xlane v18, v3;
	_ =	sdelay $0x1  }
0x166: {  	v18 =	vmin.f32 v18, v63  }
0x167: {  	v20 =	vperm.xlane v18, v4;
	_ =	sdelay $0x1  }
0x168: {  	v18 =	vmin.f32 v18, v20  }
0x169: {  	v20 =	vperm.xlane v18, v5;
	_ =	sdelay $0x1  }
0x16a: {  	v18 =	vmin.f32 v18, v20  }
0x16b: {  	v8 =	vsel vm2, v18, v8  }
0x16c: {  	vm2 =	vne.s32 v19, v6;
	vm4 =	vgt.f32 v16, v8  }
0x16d: {  	vm2 =	vmand vm2, vm4  }
0x16e: {  	vm1 =	vmand vm1, vm2  }
0x16f: {  	v18 =	vmpcnt.ones.xlane vm1;
	_ =	sdelay $0x1  }
0x170: {  	(v2sf) =	vpush v18, $0x0;
	_ =	sdelay $0xe  }
0x171: {  	s20 =	spop (v2sf)  }
0x172: {  	p0 =	sgt.s32 s20, $0x0  }
.Ltmp19:
0x173: {  	_ = 	snop;
	(pc) =	sbr.rel @p0 .LBB2_16-.Ltmp19, $3  }
0x174: {  	_ = 	snop  }
0x175: {  	v18 =	vperm.xlane v17, v19;
	_ =	sdelay $0x1  }
0x176: {  	v10 =	vsel vm3, v18, v10  }
.Ltmp20:
0x177: {  	_ = 	snop;
	(pc) =	sbr.rel .LBB2_17-.Ltmp20, $1  }
0x178: {  	_ =	sdelay $0x3  }
.LBB2_15:
0x179: {  	v9 =	vpsel p0, v9, v9;
	v10 =	vpsel p0, v10, v10;
	v8 =	vpsel p0, v8, v8  }
.LBB2_17:
0x17a: {  	vm1 =	vgt.f32 v15, v8  }
0x17b: {  	v16 =	vmpcnt.ones.xlane vm1;
	_ =	sdelay $0x1  }
0x17c: {  	(v2sf) =	vpush v16, $0x0;
	_ =	sdelay $0xe  }
0x17d: {  	s20 =	spop (v2sf)  }
0x17e: {  	p0 =	slt.s32 s20, $0x1  }
0x17f: {  	v16 =	vld @!p0 [tilespmem:s19+$0x3F]  }
0x180: {  	v17 =	vld @!p0 [tilespmem:s19+$0x41];
	_ =	sdelay $0x2  }
0x181: {  	v18 =	vlaneseq.u32 @!p0  }
0x182: {  	s20 =	sor.u32 $0x40, s18;
	v19 =	vadd.s32 @!p0 $0xFFFFFFFF, v18  }
0x183: {  	vm1 =	vge.f32 @!p0 v15, v16;
	vm2 =	vle.f32 @!p0 v17, v15;
	v16 =	vadd.s32 @!p0 s20, v19  }
0x184: {  	vm1 =	vmand @!p0 vm1, vm2;
	vm2 =	vlt.u32 @!p0 v16, $0x2EDF  }
0x185: {  	vm1 =	vmand @!p0 vm2, vm1  }
0x186: {  	v16 =	vor.u32 @!p0 s20, v18;
	v15 =	vnsel @!p0 vm1, $0xCE6E6B28, v15  }
0x187: {  	vm1 =	vlt.u32 @!p0 v16, $0x2EE1;
	vm2 =	vgt.f32 @!p0 v15, v8  }
0x188: {  	vm1 =	vmand @!p0 vm1, vm2  }
0x189: {  	v17 =	vmpcnt.ones.xlane @!p0 vm1;
	_ =	sdelay $0x1  }
0x18a: {  	(v2sf) =	vpush @!p0 v17, $0x0;
	_ =	sdelay $0xe  }
0x18b: {  	s20 =	spop @!p0 (v2sf)  }
0x18c: {  	p1 =	slt.s32 @!p0 s20, $0x1  }
0x18d: {  	p1 =	por p0, p1  }
.Ltmp21:
0x18e: {  	_ = 	snop;
	(pc) =	sbr.rel @p1 .LBB2_18-.Ltmp21, $1  }
0x18f: {  	_ =	sdelay $0x3  }
.LBB2_19:
0x190: {  	v17 =	vperm.xlane v9, v2;
	_ =	sdelay $0x1  }
0x191: {  	v17 =	vmin.f32 v9, v17  }
0x192: {  	v18 =	vperm.xlane v17, v3;
	_ =	sdelay $0x1  }
0x193: {  	v17 =	vmin.f32 v17, v18  }
0x194: {  	v18 =	vperm.xlane v17, v4;
	_ =	sdelay $0x1  }
0x195: {  	v17 =	vmin.f32 v17, v18  }
0x196: {  	v18 =	vperm.xlane v17, v5;
	_ =	sdelay $0x1  }
0x197: {  	v17 =	vmin.f32 v17, v18  }
0x198: {  	vm2 =	veq.f32 v9, v17  }
0x199: {  	v17 =	vnsel vm2, $0xC0000000, v10  }
0x19a: {  	v18 =	vperm.xlane v17, v2;
	_ =	sdelay $0x1  }
0x19b: {  	vm2 =	vgt.s32 v17, v18  }
0x19c: {  	v17 =	vsel vm2, v17, v18  }
0x19d: {  	v18 =	vperm.xlane v17, v3;
	_ =	sdelay $0x1  }
0x19e: {  	vm2 =	vgt.s32 v17, v18  }
0x19f: {  	v17 =	vsel vm2, v17, v18  }
0x1a0: {  	v18 =	vperm.xlane v17, v4;
	_ =	sdelay $0x1  }
0x1a1: {  	vm2 =	vgt.s32 v17, v18  }
0x1a2: {  	v17 =	vsel vm2, v17, v18  }
0x1a3: {  	v18 =	vmctz.xlane vm1;
	v19 =	vperm.xlane v17, v5;
	_ =	sdelay $0x1  }
0x1a4: {  	v20 =	vperm.xlane v15, v18;
	vm2 =	vgt.s32 v17, v19  }
0x1a5: {  	v17 =	vsel vm2, v17, v19  }
0x1a6: {  	vm2 =	vgt.f32 v20, v8;
	vm3 =	veq.s32 v10, v17  }
0x1a7: {  	vm3 =	vmand vm2, vm3  }
0x1a8: {  	v9 =	vsel vm3, v20, v9  }
0x1a9: {  	v17 =	vperm.xlane v9, v2;
	_ =	sdelay $0x1  }
0x1aa: {  	v17 =	vmin.f32 v9, v17  }
0x1ab: {  	v19 =	vperm.xlane v17, v3;
	_ =	sdelay $0x1  }
0x1ac: {  	v17 =	vmin.f32 v17, v19  }
0x1ad: {  	v19 =	vperm.xlane v17, v4;
	_ =	sdelay $0x1  }
0x1ae: {  	v17 =	vmin.f32 v17, v19  }
0x1af: {  	v19 =	vperm.xlane v17, v5;
	_ =	sdelay $0x1  }
0x1b0: {  	v17 =	vmin.f32 v17, v19  }
0x1b1: {  	v8 =	vsel vm2, v17, v8  }
0x1b2: {  	vm2 =	vne.s32 v18, v6;
	vm4 =	vgt.f32 v15, v8  }
0x1b3: {  	vm2 =	vmand vm2, vm4  }
0x1b4: {  	vm1 =	vmand vm1, vm2  }
0x1b5: {  	v17 =	vmpcnt.ones.xlane vm1;
	_ =	sdelay $0x1  }
0x1b6: {  	(v2sf) =	vpush v17, $0x0;
	_ =	sdelay $0xe  }
0x1b7: {  	s20 =	spop (v2sf)  }
0x1b8: {  	p0 =	sgt.s32 s20, $0x0  }
.Ltmp22:
0x1b9: {  	_ = 	snop;
	(pc) =	sbr.rel @p0 .LBB2_19-.Ltmp22, $3  }
0x1ba: {  	_ = 	snop  }
0x1bb: {  	v17 =	vperm.xlane v16, v18;
	_ =	sdelay $0x1  }
0x1bc: {  	v10 =	vsel vm3, v17, v10  }
.Ltmp23:
0x1bd: {  	_ = 	snop;
	(pc) =	sbr.rel .LBB2_20-.Ltmp23, $1  }
0x1be: {  	_ =	sdelay $0x3  }
.LBB2_18:
0x1bf: {  	v9 =	vpsel p0, v9, v9;
	v10 =	vpsel p0, v10, v10;
	v8 =	vpsel p0, v8, v8  }
.LBB2_20:
0x1c0: {  	vm1 =	vgt.f32 v14, v8  }
0x1c1: {  	v15 =	vmpcnt.ones.xlane vm1;
	_ =	sdelay $0x1  }
0x1c2: {  	(v2sf) =	vpush v15, $0x0;
	_ =	sdelay $0xe  }
0x1c3: {  	s20 =	spop (v2sf)  }
0x1c4: {  	p0 =	slt.s32 s20, $0x1  }
0x1c5: {  	v15 =	vld @!p0 [tilespmem:s19+$0x4F]  }
0x1c6: {  	v16 =	vld @!p0 [tilespmem:s19+$0x51];
	_ =	sdelay $0x2  }
0x1c7: {  	v17 =	vlaneseq.u32 @!p0  }
0x1c8: {  	s20 =	sor.u32 $0x50, s18;
	v18 =	vadd.s32 @!p0 $0xFFFFFFFF, v17  }
0x1c9: {  	vm1 =	vge.f32 @!p0 v14, v15;
	vm2 =	vle.f32 @!p0 v16, v14;
	v15 =	vadd.s32 @!p0 s20, v18  }
0x1ca: {  	vm1 =	vmand @!p0 vm1, vm2;
	vm2 =	vlt.u32 @!p0 v15, $0x2EDF  }
0x1cb: {  	vm1 =	vmand @!p0 vm2, vm1  }
0x1cc: {  	v15 =	vor.u32 @!p0 s20, v17;
	v14 =	vnsel @!p0 vm1, $0xCE6E6B28, v14  }
0x1cd: {  	vm1 =	vlt.u32 @!p0 v15, $0x2EE1;
	vm2 =	vgt.f32 @!p0 v14, v8  }
0x1ce: {  	vm1 =	vmand @!p0 vm1, vm2  }
0x1cf: {  	v16 =	vmpcnt.ones.xlane @!p0 vm1;
	_ =	sdelay $0x1  }
0x1d0: {  	(v2sf) =	vpush @!p0 v16, $0x0;
	_ =	sdelay $0xe  }
0x1d1: {  	s20 =	spop @!p0 (v2sf)  }
0x1d2: {  	p1 =	slt.s32 @!p0 s20, $0x1  }
0x1d3: {  	p1 =	por p0, p1  }
.Ltmp24:
0x1d4: {  	_ = 	snop;
	(pc) =	sbr.rel @p1 .LBB2_21-.Ltmp24, $1  }
0x1d5: {  	_ =	sdelay $0x3  }
.LBB2_22:
0x1d6: {  	v16 =	vperm.xlane v9, v2;
	_ =	sdelay $0x1  }
0x1d7: {  	v16 =	vmin.f32 v9, v16  }
0x1d8: {  	v17 =	vperm.xlane v16, v3;
	_ =	sdelay $0x1  }
0x1d9: {  	v16 =	vmin.f32 v16, v17  }
0x1da: {  	v17 =	vperm.xlane v16, v4;
	_ =	sdelay $0x1  }
0x1db: {  	v16 =	vmin.f32 v16, v17  }
0x1dc: {  	v17 =	vperm.xlane v16, v5;
	_ =	sdelay $0x1  }
0x1dd: {  	v16 =	vmin.f32 v16, v17  }
0x1de: {  	vm2 =	veq.f32 v9, v16  }
0x1df: {  	v16 =	vnsel vm2, $0xC0000000, v10  }
0x1e0: {  	v17 =	vperm.xlane v16, v2;
	_ =	sdelay $0x1  }
0x1e1: {  	vm2 =	vgt.s32 v16, v17  }
0x1e2: {  	v16 =	vsel vm2, v16, v17  }
0x1e3: {  	v17 =	vperm.xlane v16, v3;
	_ =	sdelay $0x1  }
0x1e4: {  	vm2 =	vgt.s32 v16, v17  }
0x1e5: {  	v16 =	vsel vm2, v16, v17  }
0x1e6: {  	v17 =	vperm.xlane v16, v4;
	_ =	sdelay $0x1  }
0x1e7: {  	vm2 =	vgt.s32 v16, v17  }
0x1e8: {  	v16 =	vsel vm2, v16, v17  }
0x1e9: {  	v17 =	vmctz.xlane vm1;
	v18 =	vperm.xlane v16, v5;
	_ =	sdelay $0x1  }
0x1ea: {  	v19 =	vperm.xlane v14, v17;
	vm2 =	vgt.s32 v16, v18  }
0x1eb: {  	v16 =	vsel vm2, v16, v18  }
0x1ec: {  	vm2 =	vgt.f32 v19, v8;
	vm3 =	veq.s32 v10, v16  }
0x1ed: {  	vm3 =	vmand vm2, vm3  }
0x1ee: {  	v9 =	vsel vm3, v19, v9  }
0x1ef: {  	v16 =	vperm.xlane v9, v2;
	_ =	sdelay $0x1  }
0x1f0: {  	v16 =	vmin.f32 v9, v16  }
0x1f1: {  	v63 =	vperm.xlane v16, v3;
	_ =	sdelay $0x1  }
0x1f2: {  	v16 =	vmin.f32 v16, v63  }
0x1f3: {  	v18 =	vperm.xlane v16, v4;
	_ =	sdelay $0x1  }
0x1f4: {  	v16 =	vmin.f32 v16, v18  }
0x1f5: {  	v18 =	vperm.xlane v16, v5;
	_ =	sdelay $0x1  }
0x1f6: {  	v16 =	vmin.f32 v16, v18  }
0x1f7: {  	v8 =	vsel vm2, v16, v8  }
0x1f8: {  	vm2 =	vne.s32 v17, v6;
	vm4 =	vgt.f32 v14, v8  }
0x1f9: {  	vm2 =	vmand vm2, vm4  }
0x1fa: {  	vm1 =	vmand vm1, vm2  }
0x1fb: {  	v16 =	vmpcnt.ones.xlane vm1;
	_ =	sdelay $0x1  }
0x1fc: {  	(v2sf) =	vpush v16, $0x0;
	_ =	sdelay $0xe  }
0x1fd: {  	s20 =	spop (v2sf)  }
0x1fe: {  	p0 =	sgt.s32 s20, $0x0  }
.Ltmp25:
0x1ff: {  	_ = 	snop;
	(pc) =	sbr.rel @p0 .LBB2_22-.Ltmp25, $3  }
0x200: {  	_ = 	snop  }
0x201: {  	v16 =	vperm.xlane v15, v17;
	_ =	sdelay $0x1  }
0x202: {  	v10 =	vsel vm3, v16, v10  }
.Ltmp26:
0x203: {  	_ = 	snop;
	(pc) =	sbr.rel .LBB2_23-.Ltmp26, $1  }
0x204: {  	_ =	sdelay $0x3  }
.LBB2_21:
0x205: {  	v9 =	vpsel p0, v9, v9;
	v10 =	vpsel p0, v10, v10;
	v8 =	vpsel p0, v8, v8  }
.LBB2_23:
0x206: {  	vm1 =	vgt.f32 v13, v8  }
0x207: {  	v14 =	vmpcnt.ones.xlane vm1;
	_ =	sdelay $0x1  }
0x208: {  	(v2sf) =	vpush v14, $0x0;
	_ =	sdelay $0xe  }
0x209: {  	s20 =	spop (v2sf)  }
0x20a: {  	p0 =	slt.s32 s20, $0x1  }
0x20b: {  	v14 =	vld @!p0 [tilespmem:s19+$0x5F]  }
0x20c: {  	v15 =	vld @!p0 [tilespmem:s19+$0x61];
	_ =	sdelay $0x2  }
0x20d: {  	v16 =	vlaneseq.u32 @!p0  }
0x20e: {  	s20 =	sor.u32 $0x60, s18;
	v17 =	vadd.s32 @!p0 $0xFFFFFFFF, v16  }
0x20f: {  	vm1 =	vge.f32 @!p0 v13, v14;
	vm2 =	vle.f32 @!p0 v15, v13;
	v14 =	vadd.s32 @!p0 s20, v17  }
0x210: {  	vm1 =	vmand @!p0 vm1, vm2;
	vm2 =	vlt.u32 @!p0 v14, $0x2EDF  }
0x211: {  	vm1 =	vmand @!p0 vm2, vm1  }
0x212: {  	v14 =	vor.u32 @!p0 s20, v16;
	v13 =	vnsel @!p0 vm1, $0xCE6E6B28, v13  }
0x213: {  	vm1 =	vlt.u32 @!p0 v14, $0x2EE1;
	vm2 =	vgt.f32 @!p0 v13, v8  }
0x214: {  	vm1 =	vmand @!p0 vm1, vm2  }
0x215: {  	v15 =	vmpcnt.ones.xlane @!p0 vm1;
	_ =	sdelay $0x1  }
0x216: {  	(v2sf) =	vpush @!p0 v15, $0x0;
	_ =	sdelay $0xe  }
0x217: {  	s20 =	spop @!p0 (v2sf)  }
0x218: {  	p1 =	slt.s32 @!p0 s20, $0x1  }
0x219: {  	p1 =	por p0, p1  }
.Ltmp27:
0x21a: {  	_ = 	snop;
	(pc) =	sbr.rel @p1 .LBB2_24-.Ltmp27, $1  }
0x21b: {  	_ =	sdelay $0x3  }
.LBB2_25:
0x21c: {  	v15 =	vperm.xlane v9, v2;
	_ =	sdelay $0x1  }
0x21d: {  	v15 =	vmin.f32 v9, v15  }
0x21e: {  	v16 =	vperm.xlane v15, v3;
	_ =	sdelay $0x1  }
0x21f: {  	v15 =	vmin.f32 v15, v16  }
0x220: {  	v16 =	vperm.xlane v15, v4;
	_ =	sdelay $0x1  }
0x221: {  	v15 =	vmin.f32 v15, v16  }
0x222: {  	v16 =	vperm.xlane v15, v5;
	_ =	sdelay $0x1  }
0x223: {  	v15 =	vmin.f32 v15, v16  }
0x224: {  	vm2 =	veq.f32 v9, v15  }
0x225: {  	v15 =	vnsel vm2, $0xC0000000, v10  }
0x226: {  	v61 =	vperm.xlane v15, v2;
	_ =	sdelay $0x1  }
0x227: {  	vm2 =	vgt.s32 v15, v61  }
0x228: {  	v15 =	vsel vm2, v15, v61  }
0x229: {  	v16 =	vperm.xlane v15, v3;
	_ =	sdelay $0x1  }
0x22a: {  	vm2 =	vgt.s32 v15, v16  }
0x22b: {  	v15 =	vsel vm2, v15, v16  }
0x22c: {  	v16 =	vperm.xlane v15, v4;
	_ =	sdelay $0x1  }
0x22d: {  	vm2 =	vgt.s32 v15, v16  }
0x22e: {  	v15 =	vsel vm2, v15, v16  }
0x22f: {  	v62 =	vmctz.xlane vm1;
	v17 =	vperm.xlane v15, v5;
	_ =	sdelay $0x1  }
0x230: {  	v18 =	vperm.xlane v13, v62;
	vm2 =	vgt.s32 v15, v17  }
0x231: {  	v15 =	vsel vm2, v15, v17  }
0x232: {  	vm2 =	vgt.f32 v18, v8;
	vm3 =	veq.s32 v10, v15  }
0x233: {  	vm3 =	vmand vm2, vm3  }
0x234: {  	v9 =	vsel vm3, v18, v9  }
0x235: {  	v15 =	vperm.xlane v9, v2;
	_ =	sdelay $0x1  }
0x236: {  	v15 =	vmin.f32 v9, v15  }
0x237: {  	v63 =	vperm.xlane v15, v3;
	_ =	sdelay $0x1  }
0x238: {  	v15 =	vmin.f32 v15, v63  }
0x239: {  	v17 =	vperm.xlane v15, v4;
	_ =	sdelay $0x1  }
0x23a: {  	v15 =	vmin.f32 v15, v17  }
0x23b: {  	v17 =	vperm.xlane v15, v5;
	_ =	sdelay $0x1  }
0x23c: {  	v15 =	vmin.f32 v15, v17  }
0x23d: {  	v8 =	vsel vm2, v15, v8  }
0x23e: {  	vm2 =	vne.s32 v62, v6;
	vm4 =	vgt.f32 v13, v8  }
0x23f: {  	vm2 =	vmand vm2, vm4  }
0x240: {  	vm1 =	vmand vm1, vm2  }
0x241: {  	v15 =	vmpcnt.ones.xlane vm1;
	_ =	sdelay $0x1  }
0x242: {  	(v2sf) =	vpush v15, $0x0;
	_ =	sdelay $0xe  }
0x243: {  	s20 =	spop (v2sf)  }
0x244: {  	p0 =	sgt.s32 s20, $0x0  }
.Ltmp28:
0x245: {  	_ = 	snop;
	(pc) =	sbr.rel @p0 .LBB2_25-.Ltmp28, $3  }
0x246: {  	_ = 	snop  }
0x247: {  	v15 =	vperm.xlane v14, v62;
	_ =	sdelay $0x1  }
0x248: {  	v10 =	vsel vm3, v15, v10  }
.Ltmp29:
0x249: {  	_ = 	snop;
	(pc) =	sbr.rel .LBB2_26-.Ltmp29, $1  }
0x24a: {  	_ =	sdelay $0x3  }
.LBB2_24:
0x24b: {  	v9 =	vpsel p0, v9, v9;
	v10 =	vpsel p0, v10, v10;
	v8 =	vpsel p0, v8, v8  }
.LBB2_26:
0x24c: {  	vm1 =	vgt.f32 v12, v8  }
0x24d: {  	v13 =	vmpcnt.ones.xlane vm1;
	_ =	sdelay $0x1  }
0x24e: {  	(v2sf) =	vpush v13, $0x0;
	_ =	sdelay $0xe  }
0x24f: {  	s20 =	spop (v2sf)  }
0x250: {  	p0 =	slt.s32 s20, $0x1  }
0x251: {  	s20 =	smin.u32 @!p0 s18, $0x2E70  }
0x252: {  	s21 =	sshll.u32 @!p0 s20, $0x3  }
0x253: {  	s21 =	sadd.s32 @!p0 $0x400, s21  }
0x254: {  	s20 =	sand.u32 @!p0 $0x70, s20;
	s21 =	sand.u32 @!p0 $0x3FC00, s21  }
0x255: {  	s20 =	sor.u32 @!p0 s20, s21  }
0x256: {  	v13 =	vld.idx.msk @!p0 [tilespmem:v11+s20+$0x0 ss:$0x1], $0xffff;
	_ =	sdelay $0x4  }
0x257: {  	(v2sf) =	vpush @!p0 v13, $0x0;
	_ =	sdelay $0x7  }
0x258: {  	v14 =	vimm.s32 @!p0 $0x87654321;
	v13 =	vimm.s32 @!p0 $0xFFEDCBA9  }
0x259: {  	v14 =	vunpack.c.l.s4.s8 @!p0 v14;
	v13 =	vunpack.c.l.s4.s8 @!p0 v13;
	_ =	sdelay $0x1  }
0x25a: {  	v14 =	vunpack.c.0.s8.s32 @!p0 v14;
	v13 =	vunpack.c.0.s8.s32 @!p0 v13;
	_ =	sdelay $0x1  }
0x25b: {  	v15 =	vld @!p0 [tilespmem:s19+$0x6F];
	v13 =	vcombine.low @!p0 v14, v13  }
0x25c: {  	p1 =	seq.s32 @!p0 s17, $0x5D  }
0x25d: {  	p1 =	por !p1, p0;
	v14 =	vlaneseq.u32 @!p0;
	v13 =	vperm.xlane @!p0 v12, v13;
	s19 =	spop @!p0 (v2sf)  }
0x25e: {  	vm1 =	veq.s32 @!p0 v14, $0xF;
	s19 =	simm.s32 @!p1 $0xFF61B1E6  }
0x25f: {  	s18 =	sor.u32 $0x70, s18;
	v16 =	vadd.s32 @!p0 $0xFFFFFFFF, v14;
	v13 =	vsel @!p0 vm1, s19, v13  }
0x260: {  	vm1 =	vge.f32 @!p0 v12, v15;
	vm2 =	vle.f32 @!p0 v13, v12;
	v13 =	vadd.s32 @!p0 s18, v16  }
0x261: {  	vm1 =	vmand @!p0 vm1, vm2;
	vm2 =	vlt.u32 @!p0 v13, $0x2EDF  }
0x262: {  	vm1 =	vmand @!p0 vm2, vm1  }
0x263: {  	v13 =	vor.u32 @!p0 s18, v14;
	v12 =	vnsel @!p0 vm1, $0xCE6E6B28, v12  }
0x264: {  	vm1 =	vlt.u32 @!p0 v13, $0x2EE1;
	vm2 =	vgt.f32 @!p0 v12, v8  }
0x265: {  	vm1 =	vmand @!p0 vm1, vm2  }
0x266: {  	v14 =	vmpcnt.ones.xlane @!p0 vm1;
	_ =	sdelay $0x1  }
0x267: {  	(v2sf) =	vpush @!p0 v14, $0x0;
	_ =	sdelay $0xe  }
0x268: {  	s18 =	spop @!p0 (v2sf)  }
0x269: {  	p1 =	slt.s32 @!p0 s18, $0x1  }
0x26a: {  	p1 =	por p0, p1  }
.Ltmp30:
0x26b: {  	_ = 	snop;
	(pc) =	sbr.rel @p1 .LBB2_27-.Ltmp30, $1  }
0x26c: {  	_ =	sdelay $0x3  }
.LBB2_28:
0x26d: {  	v14 =	vperm.xlane v9, v2;
	_ =	sdelay $0x1  }
0x26e: {  	v14 =	vmin.f32 v9, v14  }
0x26f: {  	v15 =	vperm.xlane v14, v3;
	_ =	sdelay $0x1  }
0x270: {  	v14 =	vmin.f32 v14, v15  }
0x271: {  	v15 =	vperm.xlane v14, v4;
	_ =	sdelay $0x1  }
0x272: {  	v14 =	vmin.f32 v14, v15  }
0x273: {  	v15 =	vperm.xlane v14, v5;
	_ =	sdelay $0x1  }
0x274: {  	v14 =	vmin.f32 v14, v15  }
0x275: {  	vm2 =	veq.f32 v9, v14  }
0x276: {  	v14 =	vnsel vm2, $0xC0000000, v10  }
0x277: {  	v15 =	vperm.xlane v14, v2;
	_ =	sdelay $0x1  }
0x278: {  	vm2 =	vgt.s32 v14, v15  }
0x279: {  	v14 =	vsel vm2, v14, v15  }
0x27a: {  	v15 =	vperm.xlane v14, v3;
	_ =	sdelay $0x1  }
0x27b: {  	vm2 =	vgt.s32 v14, v15  }
0x27c: {  	v14 =	vsel vm2, v14, v15  }
0x27d: {  	v15 =	vperm.xlane v14, v4;
	_ =	sdelay $0x1  }
0x27e: {  	vm2 =	vgt.s32 v14, v15  }
0x27f: {  	v14 =	vsel vm2, v14, v15  }
0x280: {  	v15 =	vmctz.xlane vm1;
	v16 =	vperm.xlane v14, v5;
	_ =	sdelay $0x1  }
0x281: {  	v17 =	vperm.xlane v12, v15;
	vm2 =	vgt.s32 v14, v16  }
0x282: {  	v14 =	vsel vm2, v14, v16  }
0x283: {  	vm2 =	vgt.f32 v17, v8;
	vm3 =	veq.s32 v10, v14  }
0x284: {  	vm3 =	vmand vm2, vm3  }
0x285: {  	v9 =	vsel vm3, v17, v9  }
0x286: {  	v14 =	vperm.xlane v9, v2;
	_ =	sdelay $0x1  }
0x287: {  	v14 =	vmin.f32 v9, v14  }
0x288: {  	v63 =	vperm.xlane v14, v3;
	_ =	sdelay $0x1  }
0x289: {  	v14 =	vmin.f32 v14, v63  }
0x28a: {  	v16 =	vperm.xlane v14, v4;
	_ =	sdelay $0x1  }
0x28b: {  	v14 =	vmin.f32 v14, v16  }
0x28c: {  	v16 =	vperm.xlane v14, v5;
	_ =	sdelay $0x1  }
0x28d: {  	v14 =	vmin.f32 v14, v16  }
0x28e: {  	v8 =	vsel vm2, v14, v8  }
0x28f: {  	vm2 =	vne.s32 v15, v6;
	vm4 =	vgt.f32 v12, v8  }
0x290: {  	vm2 =	vmand vm2, vm4  }
0x291: {  	vm1 =	vmand vm1, vm2  }
0x292: {  	v14 =	vmpcnt.ones.xlane vm1;
	_ =	sdelay $0x1  }
0x293: {  	(v2sf) =	vpush v14, $0x0;
	_ =	sdelay $0xe  }
0x294: {  	s18 =	spop (v2sf)  }
0x295: {  	p0 =	sgt.s32 s18, $0x0  }
.Ltmp31:
0x296: {  	_ = 	snop;
	(pc) =	sbr.rel @p0 .LBB2_28-.Ltmp31, $3  }
0x297: {  	_ = 	snop  }
0x298: {  	v14 =	vperm.xlane v13, v15;
	_ =	sdelay $0x1  }
0x299: {  	v10 =	vsel vm3, v14, v10  }
.Ltmp32:
0x29a: {  	_ = 	snop;
	(pc) =	sbr.rel .LBB2_29-.Ltmp32, $1  }
0x29b: {  	_ =	sdelay $0x3  }
.LBB2_33:
0x29c: {  	_ =	sfence.sel $0x180000  }
0x29d: {  	[bflag:$0x0] =	sbarrier.arrive $0xFFFF  }
0x29e: {  	p0 =	sne.s32 s2, $0x0;
	_ =	strace $0x90000047  }
0x29f: {  	s0 =	sadd.s32 @!p0 $0x100000, s0;
	[bflag:$0x2] =	sbarrier.arrive $0xFFFF  }
0x2a0: {  	[sflag:s0] =	ssyncadd.tile.s32 @!p0 $0x1;
	_ =	shalt  }
.Lfunc_end2:
_tile_overlayer_lowered:
.L_overlay_start_2:
0x2a1: {  	(tag) =	ssettag $0x2  }
0x2a2: {  	s0 =	rddreg [dreg:$0x0];
	s2 =	stileid.u32  }
0x2a3: {  	s1 =	rddreg [dreg:$0x1];
	p0 =	sne.s32 s2, $0x0  }
0x2a4: {  	s3 =	rddreg [dreg:$0x2];
	[bflag:$0x3] =	sbarrier.arrive $0xFFFF;
	s2 =	simm.s32 @!p0 $0x1C02  }
0x2a5: {  	[timem:s3], [sflag:s2] =	dma.local @!p0 [hbm:s0], s1  }
0x2a6: {  	s0 =	simm.s32 @!p0 $0x2  }
0x2a7: {  	_ =	swait.ge @!p0 [sflag:s0], s1  }
0x2a8: {  	s1 =	ssub.s32 @!p0 $0x0, s1;
	[sflag:s0] =	ssyncset.done @!p0 $0x0  }
0x2a9: {  	[sflag:s0] =	ssyncadd.s32 @!p0 s1  }
0x2aa: {  	[bflag:$0x3] =	sbarrier.arrive $0xFFFF  }
0x2ab: {  	_ =	shalt  }

</sc_bundles>
